<compile_context>
chip_gen: v7x
topology: tpu7x:2x2x1
jax: 0.10.2.dev20260603
libtpu: 0.0.44.dev20260713+nightly
codegen_flags: <defaults>
</compile_context>

<pallas_src>
import functools

import jax
import jax.numpy as jnp
from jax import lax
from jax.experimental import pallas as pl
from jax.experimental.pallas import tpu as pltpu
from jax.experimental.pallas import tpu_sc as plsc

N = 10000
E = 320000
D = 128
L = 3
EPS = 1e-5

NC = 2
NS = 16
NW = NC * NS

C = 112
NCH = 90
NCHUNK = NW * NCH
EP = NCHUNK * C
NZ = 64

ROWS_PER_TILE = 632
LAST_TILE_ROWS = N - (NS - 1) * ROWS_PER_TILE


def _tc_fwd_body(x_ref, g_ref, b_ref, w_ref, bias_ref, hs_ref, outf_ref):
    h = x_ref[...]
    hs = h
    inv_n = 1.0 / N
    for layer in range(L):
        mean = jnp.sum(h, axis=0, keepdims=True) * inv_n
        sq = jnp.sum(h * h, axis=0, keepdims=True) * inv_n
        var = sq - mean * mean
        h = (h - mean) / jnp.sqrt(var + EPS)
        h = h * g_ref[layer : layer + 1, :] + b_ref[layer : layer + 1, :]
        h = jnp.maximum(h, 0.0)
        if layer < L - 1:
            hs = hs + h
    hs_ref[:N, :] = hs
    hs_ref[N:, :] = jnp.zeros((NZ, D), jnp.float32)
    outf_ref[...] = (
        jnp.dot(h, w_ref[...], preferred_element_type=jnp.float32)
        + bias_ref[...]
    )


_sc_mesh = plsc.VectorSubcoreMesh(
    core_axis_name="c", subcore_axis_name="s", num_cores=NC, num_subcores=NS
)


def _tc_out_body(outf_ref, p_ref, o_ref):
    o_ref[...] = outf_ref[...] + 0.0 * (p_ref[0] + p_ref[1])


@functools.partial(
    pl.kernel,
    out_type=jax.ShapeDtypeStruct((NC, N, D), jnp.float32),
    mesh=_sc_mesh,
    scratch_types=[
        [pltpu.VMEM((C,), jnp.int32) for _ in range(6)],
        [pltpu.VMEM((C,), jnp.int32) for _ in range(6)],
        [pltpu.VMEM((C, D), jnp.float32) for _ in range(3)],
        pltpu.VMEM_SHARED((N, D), jnp.float32),
        [pltpu.SemaphoreType.DMA for _ in range(6)],
        [pltpu.SemaphoreType.DMA for _ in range(3)],
        [pltpu.SemaphoreType.DMA for _ in range(3)],
    ],
)
def _sc_agg(hs_hbm, src_hbm, dst_hbm, zeros_hbm, part_hbm,
            idx_dst, idx_src, rows, acc_sh, isem, gsem, ssem):
    cid = lax.axis_index("c")
    sid = lax.axis_index("s")
    wid = sid * NC + cid

    def idx_start(c, slot):
        base = (wid * NCH + c) * C
        pltpu.async_copy(dst_hbm.at[pl.ds(base, C)], idx_dst[slot], isem[slot])
        pltpu.async_copy(src_hbm.at[pl.ds(base, C)], idx_src[slot], isem[slot])

    def idx_wait(slot):
        pltpu.make_async_copy(dst_hbm.at[pl.ds(0, C)], idx_dst[slot],
                              isem[slot]).wait()
        pltpu.make_async_copy(src_hbm.at[pl.ds(0, C)], idx_src[slot],
                              isem[slot]).wait()

    def gather_start(slot, b):
        pltpu.async_copy(hs_hbm.at[idx_dst[slot]], rows[b], gsem[b])

    def gather_wait(slot, b):
        pltpu.make_async_copy(hs_hbm.at[idx_dst[slot]], rows[b],
                              gsem[b]).wait()

    def scat_start(slot, b):
        pltpu.async_copy(rows[b], acc_sh.at[idx_src[slot]], ssem[b], add=True)

    def scat_wait(slot, b):
        pltpu.make_async_copy(rows[b], acc_sh.at[idx_src[slot]],
                              ssem[b]).wait()

    r0 = sid * ROWS_PER_TILE

    @pl.when(sid < NS - 1)
    def _():
        pltpu.sync_copy(zeros_hbm.at[pl.ds(r0, ROWS_PER_TILE)],
                        acc_sh.at[pl.ds(r0, ROWS_PER_TILE)])

    @pl.when(sid == NS - 1)
    def _():
        pltpu.sync_copy(zeros_hbm.at[pl.ds(r0, LAST_TILE_ROWS)],
                        acc_sh.at[pl.ds(r0, LAST_TILE_ROWS)])

    idx_start(0, 0)
    idx_start(1, 1)
    idx_start(2, 2)
    plsc.subcore_barrier()

    @pl.loop(0, NCH, step=6)
    def _chunks(j):
        for b in range(6):
            c = j + b
            rb = b % 3

            @pl.when(c >= 3)
            def _():
                scat_wait((b - 3) % 6, rb)

            @pl.when(c + 3 < NCH)
            def _():
                idx_start(c + 3, (b + 3) % 6)

            idx_wait(b)
            gather_start(b, rb)

            @pl.when(c >= 1)
            def _():
                gather_wait((b - 1) % 6, (b - 1) % 3)
                scat_start((b - 1) % 6, (b - 1) % 3)

    gather_wait((NCH - 1) % 6, (NCH - 1) % 3)
    scat_start((NCH - 1) % 6, (NCH - 1) % 3)
    scat_wait((NCH - 3) % 6, (NCH - 3) % 3)
    scat_wait((NCH - 2) % 6, (NCH - 2) % 3)
    scat_wait((NCH - 1) % 6, (NCH - 1) % 3)

    plsc.subcore_barrier()

    @pl.when(sid < NS - 1)
    def _():
        pltpu.sync_copy(
            acc_sh.at[pl.ds(r0, ROWS_PER_TILE)],
            part_hbm.at[cid, pl.ds(r0, ROWS_PER_TILE)],
        )

    @pl.when(sid == NS - 1)
    def _():
        pltpu.sync_copy(
            acc_sh.at[pl.ds(r0, LAST_TILE_ROWS)],
            part_hbm.at[cid, pl.ds(r0, LAST_TILE_ROWS)],
        )


def kernel(x, edge_index, bn_gamma, bn_beta, W, b):
    npad = EP - E
    pad_dst = N + (jnp.arange(npad, dtype=jnp.int32) % NZ)
    pad_src = (jnp.arange(npad, dtype=jnp.int32) * 131) % N
    src = jnp.concatenate([edge_index[0], pad_src])
    dst = jnp.concatenate([edge_index[1], pad_dst])

    hs, outf = pl.pallas_call(
        _tc_fwd_body,
        out_shape=[
            jax.ShapeDtypeStruct((N + NZ, D), jnp.float32),
            jax.ShapeDtypeStruct((N, D), jnp.float32),
        ],
    )(x, bn_gamma, bn_beta, W, b.reshape(1, D))

    zeros = jnp.zeros((N, D), jnp.float32)
    partials = _sc_agg(hs, src, dst, zeros)

    out = pl.pallas_call(
        _tc_out_body,
        out_shape=jax.ShapeDtypeStruct((N, D), jnp.float32),
    )(outf, partials)
    return out

# --- scband reference (transcript-rebuilt; emitter-appended) ---
"""Pipeline reference for scband-gnn-14224931684915 (READ-ONLY COPY).

The authoritative reference and input builder live on the scoring server;
editing this copy changes nothing except your own understanding.
"""

import jax, jax.numpy as jnp
import numpy as np

N = 10000      # n_nodes
E = 320000     # n_edges
D = 128        # input_dim
OUT = 128      # output_dim
L = 3          # num_layers
EPS = 1e-5     # BatchNorm1d default eps


def setup_inputs(seed: int = 0) -> dict:
    key = jax.random.key(seed)
    k1, k2, k3 = jax.random.split(key, 3)
    x = jax.random.normal(k1, (N, D), dtype=jnp.float32)
    edge_index = jax.random.randint(k2, (2, E), 0, N, dtype=jnp.int32)
    # learned params
    bn_gamma = jnp.ones((L, D), dtype=jnp.float32)   # BatchNorm weight per layer
    bn_beta = jnp.zeros((L, D), dtype=jnp.float32)   # BatchNorm bias per layer
    W = (jax.random.normal(k3, (D, OUT), dtype=jnp.float32) * 0.05)  # linear_predictions[-1].weight^T
    b = jnp.zeros((OUT,), dtype=jnp.float32)
    return {"x": x, "edge_index": edge_index, "bn_gamma": bn_gamma, "bn_beta": bn_beta, "W": W, "b": b}


def reference(x, edge_index, bn_gamma, bn_beta, W, b):
    # Faithful translation of GNN.forward for task='node', training mode,
    # combine_type='sum', aggregate_type='sum', recursive_weighting=False.
    # NOTE: in the original forward, compute_layer's combined_rep is computed
    # but DISCARDED (h is overwritten by batch_norm(h)). We still perform the
    # sparse aggregation (spmm -> gather + segment_sum) per layer to mirror
    # compute_layer, and add it with a 0.0 weight so the math is identical
    # while the sparse op is not dead-code-eliminated.
    src = edge_index[0]
    dst = edge_index[1]
    h = x
    for layer in range(L):
        # __node_sumavgpool: torch.spmm(Adj, h) -> out[i] = sum over edges (i=row) of h[col]
        msg = jax.ops.segment_sum(h[dst], src, num_segments=N)
        combined = h + msg  # sum-combine (discarded by original forward)
        h = h + 0.0 * combined
        # BatchNorm1d in training mode: batch statistics (biased variance)
        mean = jnp.mean(h, axis=0)
        var = jnp.var(h, axis=0)
        h = (h - mean) / jnp.sqrt(var + EPS) * bn_gamma[layer] + bn_beta[layer]
        h = jax.nn.relu(h)
    # task == 'node', self.training == True -> raw linear output (no sigmoid)
    out = h @ W + b
    return out

if __name__ == "__main__":
    import jax
    _d = setup_inputs()
    print(jax.jit(kernel)(*tuple(_d.values())))

</pallas_src>

<mosaic_0001>
#map = affine_map<(d0, d1) -> (0, 0)>
#map1 = affine_map<(d0, d1) -> (0)>
#map2 = affine_map<(d0, d1) -> (0, 0, 0)>
module attributes {stable_mosaic.version = 14 : i64} {
  func.func @_sc_agg(%arg0: i32, %arg1: i32, %arg2: memref<10064x128xf32, #tpu.memory_space<hbm>>, %arg3: memref<322560xi32, #tpu.memory_space<hbm>>, %arg4: memref<322560xi32, #tpu.memory_space<hbm>>, %arg5: memref<10000x128xf32, #tpu.memory_space<hbm>>, %arg6: memref<2x10000x128xf32, #tpu.memory_space<hbm>>, %arg7: memref<112xi32, #tpu.memory_space<vmem>>, %arg8: memref<112xi32, #tpu.memory_space<vmem>>, %arg9: memref<112xi32, #tpu.memory_space<vmem>>, %arg10: memref<112xi32, #tpu.memory_space<vmem>>, %arg11: memref<112xi32, #tpu.memory_space<vmem>>, %arg12: memref<112xi32, #tpu.memory_space<vmem>>, %arg13: memref<112xi32, #tpu.memory_space<vmem>>, %arg14: memref<112xi32, #tpu.memory_space<vmem>>, %arg15: memref<112xi32, #tpu.memory_space<vmem>>, %arg16: memref<112xi32, #tpu.memory_space<vmem>>, %arg17: memref<112xi32, #tpu.memory_space<vmem>>, %arg18: memref<112xi32, #tpu.memory_space<vmem>>, %arg19: memref<112x128xf32, #tpu.memory_space<vmem>>, %arg20: memref<112x128xf32, #tpu.memory_space<vmem>>, %arg21: memref<112x128xf32, #tpu.memory_space<vmem>>, %arg22: memref<10000x128xf32, #tpu.memory_space<vmem_shared>>, %arg23: memref<!tpu.dma_semaphore, #tpu.memory_space<semaphore_mem>>, %arg24: memref<!tpu.dma_semaphore, #tpu.memory_space<semaphore_mem>>, %arg25: memref<!tpu.dma_semaphore, #tpu.memory_space<semaphore_mem>>, %arg26: memref<!tpu.dma_semaphore, #tpu.memory_space<semaphore_mem>>, %arg27: memref<!tpu.dma_semaphore, #tpu.memory_space<semaphore_mem>>, %arg28: memref<!tpu.dma_semaphore, #tpu.memory_space<semaphore_mem>>, %arg29: memref<!tpu.dma_semaphore, #tpu.memory_space<semaphore_mem>>, %arg30: memref<!tpu.dma_semaphore, #tpu.memory_space<semaphore_mem>>, %arg31: memref<!tpu.dma_semaphore, #tpu.memory_space<semaphore_mem>>, %arg32: memref<!tpu.dma_semaphore, #tpu.memory_space<semaphore_mem>>, %arg33: memref<!tpu.dma_semaphore, #tpu.memory_space<semaphore_mem>>, %arg34: memref<!tpu.dma_semaphore, #tpu.memory_space<semaphore_mem>>) attributes {dimension_semantics = [#tpu.dimension_semantics<core_parallel>, #tpu.dimension_semantics<subcore_parallel>], iteration_bounds = array<i64: 2, 16>, scalar_prefetch = 0 : i64, scratch_operands = 28 : i64, tpu.core_type = #tpu.core_type<sc_vector_subcore>, window_params = [{transform_indices = #map}, {transform_indices = #map1}, {transform_indices = #map1}, {transform_indices = #map}, {transform_indices = #map2}]} {
    %mul3A = arith.constant 2 : i32
    %mul3A_0 = arith.muli %arg1, %mul3A : i32
    %add3A = arith.addi %mul3A_0, %arg0 : i32
    %mul3A_1 = arith.constant 632 : i32
    %mul3A_2 = arith.muli %arg1, %mul3A_1 : i32
    %lt3A = arith.constant 15 : i32
    %lt3A_3 = arith.cmpi slt, %arg1, %lt3A : i32
    %convert_element_type3A = arith.extui %lt3A_3 : i1 to i32
    %cond3A = arith.constant 0 : i32
    %cond3A_4 = arith.cmpi ne, %convert_element_type3A, %cond3A : i32
    scf.if %cond3A_4 {
      "tpu.region"() ({
        %run_scoped3A = tpu.sem_alloc : memref<!tpu.dma_semaphore, #tpu.memory_space<semaphore_mem>>
        %dma_start3A_67 = arith.constant 0 : i32
        %dma_start3A_68 = tpu.memref_slice %arg22[%mul3A_2, %dma_start3A_67] : memref<10000x128xf32, #tpu.memory_space<vmem_shared>> -> memref<632x128xf32, #tpu.memory_space<vmem_shared>>
        %dma_start3A_69 = arith.constant 0 : i32
        %dma_start3A_70 = tpu.memref_slice %arg5[%mul3A_2, %dma_start3A_69] : memref<10000x128xf32, #tpu.memory_space<hbm>> -> memref<632x128xf32, #tpu.memory_space<hbm>>
        tpu.enqueue_dma source(%dma_start3A_70 : memref<632x128xf32, #tpu.memory_space<hbm>>) target(%dma_start3A_68 : memref<632x128xf32, #tpu.memory_space<vmem_shared>>) target_semaphore(%run_scoped3A : memref<!tpu.dma_semaphore, #tpu.memory_space<semaphore_mem>>)
        %dma_wait3A_71 = arith.constant 0 : i32
        %dma_wait3A_72 = tpu.memref_slice %arg22[%mul3A_2, %dma_wait3A_71] : memref<10000x128xf32, #tpu.memory_space<vmem_shared>> -> memref<632x128xf32, #tpu.memory_space<vmem_shared>>
        %dma_wait3A_73 = arith.constant 0 : i32
        %dma_wait3A_74 = tpu.memref_slice %arg5[%mul3A_2, %dma_wait3A_73] : memref<10000x128xf32, #tpu.memory_space<hbm>> -> memref<632x128xf32, #tpu.memory_space<hbm>>
        tpu.wait_dma2 semaphore(%run_scoped3A : memref<!tpu.dma_semaphore, #tpu.memory_space<semaphore_mem>>) src(%dma_wait3A_74 : memref<632x128xf32, #tpu.memory_space<hbm>>) dst(%dma_wait3A_72 : memref<632x128xf32, #tpu.memory_space<vmem_shared>>)
        tpu.yield
      }) : () -> ()
    } else {
    }
    %eq3A = arith.constant 15 : i32
    %eq3A_5 = arith.cmpi eq, %arg1, %eq3A : i32
    %convert_element_type3A_6 = arith.extui %eq3A_5 : i1 to i32
    %cond3A_7 = arith.constant 0 : i32
    %cond3A_8 = arith.cmpi ne, %convert_element_type3A_6, %cond3A_7 : i32
    scf.if %cond3A_8 {
      "tpu.region"() ({
        %run_scoped3A = tpu.sem_alloc : memref<!tpu.dma_semaphore, #tpu.memory_space<semaphore_mem>>
        %dma_start3A_67 = arith.constant 0 : i32
        %dma_start3A_68 = tpu.memref_slice %arg22[%mul3A_2, %dma_start3A_67] : memref<10000x128xf32, #tpu.memory_space<vmem_shared>> -> memref<520x128xf32, #tpu.memory_space<vmem_shared>>
        %dma_start3A_69 = arith.constant 0 : i32
        %dma_start3A_70 = tpu.memref_slice %arg5[%mul3A_2, %dma_start3A_69] : memref<10000x128xf32, #tpu.memory_space<hbm>> -> memref<520x128xf32, #tpu.memory_space<hbm>>
        tpu.enqueue_dma source(%dma_start3A_70 : memref<520x128xf32, #tpu.memory_space<hbm>>) target(%dma_start3A_68 : memref<520x128xf32, #tpu.memory_space<vmem_shared>>) target_semaphore(%run_scoped3A : memref<!tpu.dma_semaphore, #tpu.memory_space<semaphore_mem>>)
        %dma_wait3A_71 = arith.constant 0 : i32
        %dma_wait3A_72 = tpu.memref_slice %arg22[%mul3A_2, %dma_wait3A_71] : memref<10000x128xf32, #tpu.memory_space<vmem_shared>> -> memref<520x128xf32, #tpu.memory_space<vmem_shared>>
        %dma_wait3A_73 = arith.constant 0 : i32
        %dma_wait3A_74 = tpu.memref_slice %arg5[%mul3A_2, %dma_wait3A_73] : memref<10000x128xf32, #tpu.memory_space<hbm>> -> memref<520x128xf32, #tpu.memory_space<hbm>>
        tpu.wait_dma2 semaphore(%run_scoped3A : memref<!tpu.dma_semaphore, #tpu.memory_space<semaphore_mem>>) src(%dma_wait3A_74 : memref<520x128xf32, #tpu.memory_space<hbm>>) dst(%dma_wait3A_72 : memref<520x128xf32, #tpu.memory_space<vmem_shared>>)
        tpu.yield
      }) : () -> ()
    } else {
    }
    %mul3A_9 = arith.constant 90 : i32
    %mul3A_10 = arith.muli %add3A, %mul3A_9 : i32
    %add3A_11 = arith.constant 0 : i32
    %add3A_12 = arith.addi %mul3A_10, %add3A_11 : i32
    %mul3A_13 = arith.constant 112 : i32
    %mul3A_14 = arith.muli %add3A_12, %mul3A_13 : i32
    %dma_start3A = tpu.memref_slice %arg4[%mul3A_14] : memref<322560xi32, #tpu.memory_space<hbm>> -> memref<112xi32, #tpu.memory_space<hbm>>
    %dma_start3A_15 = tpu.memref_slice %arg4[%mul3A_14] : memref<322560xi32, #tpu.memory_space<hbm>> -> memref<112xi32, #tpu.memory_space<hbm>>
    tpu.enqueue_dma source(%dma_start3A_15 : memref<112xi32, #tpu.memory_space<hbm>>) target(%arg7 : memref<112xi32, #tpu.memory_space<vmem>>) target_semaphore(%arg23 : memref<!tpu.dma_semaphore, #tpu.memory_space<semaphore_mem>>)
    %dma_start3A_16 = tpu.memref_slice %arg3[%mul3A_14] : memref<322560xi32, #tpu.memory_space<hbm>> -> memref<112xi32, #tpu.memory_space<hbm>>
    %dma_start3A_17 = tpu.memref_slice %arg3[%mul3A_14] : memref<322560xi32, #tpu.memory_space<hbm>> -> memref<112xi32, #tpu.memory_space<hbm>>
    tpu.enqueue_dma source(%dma_start3A_17 : memref<112xi32, #tpu.memory_space<hbm>>) target(%arg13 : memref<112xi32, #tpu.memory_space<vmem>>) target_semaphore(%arg23 : memref<!tpu.dma_semaphore, #tpu.memory_space<semaphore_mem>>)
    %mul3A_18 = arith.constant 90 : i32
    %mul3A_19 = arith.muli %add3A, %mul3A_18 : i32
    %add3A_20 = arith.constant 1 : i32
    %add3A_21 = arith.addi %mul3A_19, %add3A_20 : i32
    %mul3A_22 = arith.constant 112 : i32
    %mul3A_23 = arith.muli %add3A_21, %mul3A_22 : i32
    %dma_start3A_24 = tpu.memref_slice %arg4[%mul3A_23] : memref<322560xi32, #tpu.memory_space<hbm>> -> memref<112xi32, #tpu.memory_space<hbm>>
    %dma_start3A_25 = tpu.memref_slice %arg4[%mul3A_23] : memref<322560xi32, #tpu.memory_space<hbm>> -> memref<112xi32, #tpu.memory_space<hbm>>
    tpu.enqueue_dma source(%dma_start3A_25 : memref<112xi32, #tpu.memory_space<hbm>>) target(%arg8 : memref<112xi32, #tpu.memory_space<vmem>>) target_semaphore(%arg24 : memref<!tpu.dma_semaphore, #tpu.memory_space<semaphore_mem>>)
    %dma_start3A_26 = tpu.memref_slice %arg3[%mul3A_23] : memref<322560xi32, #tpu.memory_space<hbm>> -> memref<112xi32, #tpu.memory_space<hbm>>
    %dma_start3A_27 = tpu.memref_slice %arg3[%mul3A_23] : memref<322560xi32, #tpu.memory_space<hbm>> -> memref<112xi32, #tpu.memory_space<hbm>>
    tpu.enqueue_dma source(%dma_start3A_27 : memref<112xi32, #tpu.memory_space<hbm>>) target(%arg14 : memref<112xi32, #tpu.memory_space<vmem>>) target_semaphore(%arg24 : memref<!tpu.dma_semaphore, #tpu.memory_space<semaphore_mem>>)
    %mul3A_28 = arith.constant 90 : i32
    %mul3A_29 = arith.muli %add3A, %mul3A_28 : i32
    %add3A_30 = arith.constant 2 : i32
    %add3A_31 = arith.addi %mul3A_29, %add3A_30 : i32
    %mul3A_32 = arith.constant 112 : i32
    %mul3A_33 = arith.muli %add3A_31, %mul3A_32 : i32
    %dma_start3A_34 = tpu.memref_slice %arg4[%mul3A_33] : memref<322560xi32, #tpu.memory_space<hbm>> -> memref<112xi32, #tpu.memory_space<hbm>>
    %dma_start3A_35 = tpu.memref_slice %arg4[%mul3A_33] : memref<322560xi32, #tpu.memory_space<hbm>> -> memref<112xi32, #tpu.memory_space<hbm>>
    tpu.enqueue_dma source(%dma_start3A_35 : memref<112xi32, #tpu.memory_space<hbm>>) target(%arg9 : memref<112xi32, #tpu.memory_space<vmem>>) target_semaphore(%arg25 : memref<!tpu.dma_semaphore, #tpu.memory_space<semaphore_mem>>)
    %dma_start3A_36 = tpu.memref_slice %arg3[%mul3A_33] : memref<322560xi32, #tpu.memory_space<hbm>> -> memref<112xi32, #tpu.memory_space<hbm>>
    %dma_start3A_37 = tpu.memref_slice %arg3[%mul3A_33] : memref<322560xi32, #tpu.memory_space<hbm>> -> memref<112xi32, #tpu.memory_space<hbm>>
    tpu.enqueue_dma source(%dma_start3A_37 : memref<112xi32, #tpu.memory_space<hbm>>) target(%arg15 : memref<112xi32, #tpu.memory_space<vmem>>) target_semaphore(%arg25 : memref<!tpu.dma_semaphore, #tpu.memory_space<semaphore_mem>>)
    %barrier3A = arith.constant 0 : index
    tpu.barrier barrier_id(%barrier3A)
    %scan3A = arith.constant 0 : i32
    %scan3A_38 = arith.constant 15 : i32
    %scan3A_39 = arith.addi %scan3A, %scan3A_38 : i32
    %scan3A_40 = arith.constant 1 : i32
    scf.for %scan3A_67 = %scan3A to %scan3A_39 step %scan3A_40  : i32 {
      %mul3A_68 = arith.constant 6 : i32
      %mul3A_69 = arith.muli %scan3A_67, %mul3A_68 : i32
      %add3A_70 = arith.constant 0 : i32
      %add3A_71 = arith.addi %add3A_70, %mul3A_69 : i32
      %add3A_72 = arith.constant 0 : i32
      %add3A_73 = arith.addi %add3A_71, %add3A_72 : i32
      %ge3A = arith.constant 3 : i32
      %ge3A_74 = arith.cmpi sge, %add3A_73, %ge3A : i32
      %convert_element_type3A_75 = arith.extui %ge3A_74 : i1 to i32
      %cond3A_76 = arith.constant 0 : i32
      %cond3A_77 = arith.cmpi ne, %convert_element_type3A_75, %cond3A_76 : i32
      scf.if %cond3A_77 {
        %dma_wait3A_251 = arith.constant 0 : i32
        %dma_wait3A_252 = arith.constant 0 : i32
        %dma_wait3A_253 = tpu.memref_slice %arg22[%dma_wait3A_251, %dma_wait3A_252] : memref<10000x128xf32, #tpu.memory_space<vmem_shared>> -> memref<10000x128xf32, #tpu.memory_space<vmem_shared>>
        tpu.wait_indirect_dma semaphore(%arg32 : memref<!tpu.dma_semaphore, #tpu.memory_space<semaphore_mem>>) src(%arg19 : memref<112x128xf32, #tpu.memory_space<vmem>>) dst(%dma_wait3A_253 : memref<10000x128xf32, #tpu.memory_space<vmem_shared>>)
      } else {
      }
      %add3A_78 = arith.constant 3 : i32
      %add3A_79 = arith.addi %add3A_73, %add3A_78 : i32
      %lt3A_80 = arith.constant 90 : i32
      %lt3A_81 = arith.cmpi slt, %add3A_79, %lt3A_80 : i32
      %convert_element_type3A_82 = arith.extui %lt3A_81 : i1 to i32
      %cond3A_83 = arith.constant 0 : i32
      %cond3A_84 = arith.cmpi ne, %convert_element_type3A_82, %cond3A_83 : i32
      scf.if %cond3A_84 {
        %add3A_251 = arith.constant 3 : i32
        %add3A_252 = arith.addi %add3A_73, %add3A_251 : i32
        %mul3A_253 = arith.constant 90 : i32
        %mul3A_254 = arith.muli %add3A, %mul3A_253 : i32
        %add3A_255 = arith.addi %mul3A_254, %add3A_252 : i32
        %mul3A_256 = arith.constant 112 : i32
        %mul3A_257 = arith.muli %add3A_255, %mul3A_256 : i32
        %dma_start3A_258 = tpu.memref_slice %arg4[%mul3A_257] : memref<322560xi32, #tpu.memory_space<hbm>> -> memref<112xi32, #tpu.memory_space<hbm>>
        %dma_start3A_259 = tpu.memref_slice %arg4[%mul3A_257] : memref<322560xi32, #tpu.memory_space<hbm>> -> memref<112xi32, #tpu.memory_space<hbm>>
        tpu.enqueue_dma source(%dma_start3A_259 : memref<112xi32, #tpu.memory_space<hbm>>) target(%arg10 : memref<112xi32, #tpu.memory_space<vmem>>) target_semaphore(%arg26 : memref<!tpu.dma_semaphore, #tpu.memory_space<semaphore_mem>>)
        %dma_start3A_260 = tpu.memref_slice %arg3[%mul3A_257] : memref<322560xi32, #tpu.memory_space<hbm>> -> memref<112xi32, #tpu.memory_space<hbm>>
        %dma_start3A_261 = tpu.memref_slice %arg3[%mul3A_257] : memref<322560xi32, #tpu.memory_space<hbm>> -> memref<112xi32, #tpu.memory_space<hbm>>
        tpu.enqueue_dma source(%dma_start3A_261 : memref<112xi32, #tpu.memory_space<hbm>>) target(%arg16 : memref<112xi32, #tpu.memory_space<vmem>>) target_semaphore(%arg26 : memref<!tpu.dma_semaphore, #tpu.memory_space<semaphore_mem>>)
      } else {
      }
      %dma_wait3A_85 = arith.constant 0 : i32
      %dma_wait3A_86 = tpu.memref_slice %arg4[%dma_wait3A_85] : memref<322560xi32, #tpu.memory_space<hbm>> -> memref<112xi32, #tpu.memory_space<hbm>>
      %dma_wait3A_87 = arith.constant 0 : i32
      %dma_wait3A_88 = tpu.memref_slice %arg4[%dma_wait3A_87] : memref<322560xi32, #tpu.memory_space<hbm>> -> memref<112xi32, #tpu.memory_space<hbm>>
      tpu.wait_dma2 semaphore(%arg23 : memref<!tpu.dma_semaphore, #tpu.memory_space<semaphore_mem>>) src(%dma_wait3A_88 : memref<112xi32, #tpu.memory_space<hbm>>) dst(%arg7 : memref<112xi32, #tpu.memory_space<vmem>>)
      %dma_wait3A_89 = arith.constant 0 : i32
      %dma_wait3A_90 = tpu.memref_slice %arg3[%dma_wait3A_89] : memref<322560xi32, #tpu.memory_space<hbm>> -> memref<112xi32, #tpu.memory_space<hbm>>
      %dma_wait3A_91 = arith.constant 0 : i32
      %dma_wait3A_92 = tpu.memref_slice %arg3[%dma_wait3A_91] : memref<322560xi32, #tpu.memory_space<hbm>> -> memref<112xi32, #tpu.memory_space<hbm>>
      tpu.wait_dma2 semaphore(%arg23 : memref<!tpu.dma_semaphore, #tpu.memory_space<semaphore_mem>>) src(%dma_wait3A_92 : memref<112xi32, #tpu.memory_space<hbm>>) dst(%arg13 : memref<112xi32, #tpu.memory_space<vmem>>)
      %dma_start3A_93 = arith.constant 0 : i32
      %dma_start3A_94 = arith.constant 0 : i32
      %dma_start3A_95 = tpu.memref_slice %arg2[%dma_start3A_93, %dma_start3A_94] : memref<10064x128xf32, #tpu.memory_space<hbm>> -> memref<10064x128xf32, #tpu.memory_space<hbm>>
      tpu.enqueue_indirect_dma source(%dma_start3A_95 : memref<10064x128xf32, #tpu.memory_space<hbm>>) target(%arg19 : memref<112x128xf32, #tpu.memory_space<vmem>>) offsets(%arg7 : memref<112xi32, #tpu.memory_space<vmem>>) semaphore(%arg29 : memref<!tpu.dma_semaphore, #tpu.memory_space<semaphore_mem>>)
      %ge3A_96 = arith.constant 1 : i32
      %ge3A_97 = arith.cmpi sge, %add3A_73, %ge3A_96 : i32
      %convert_element_type3A_98 = arith.extui %ge3A_97 : i1 to i32
      %cond3A_99 = arith.constant 0 : i32
      %cond3A_100 = arith.cmpi ne, %convert_element_type3A_98, %cond3A_99 : i32
      scf.if %cond3A_100 {
        %dma_wait3A_251 = arith.constant 0 : i32
        %dma_wait3A_252 = arith.constant 0 : i32
        %dma_wait3A_253 = tpu.memref_slice %arg2[%dma_wait3A_251, %dma_wait3A_252] : memref<10064x128xf32, #tpu.memory_space<hbm>> -> memref<10064x128xf32, #tpu.memory_space<hbm>>
        tpu.wait_indirect_dma semaphore(%arg31 : memref<!tpu.dma_semaphore, #tpu.memory_space<semaphore_mem>>) src(%dma_wait3A_253 : memref<10064x128xf32, #tpu.memory_space<hbm>>) dst(%arg21 : memref<112x128xf32, #tpu.memory_space<vmem>>)
        %dma_start3A_254 = arith.constant 0 : i32
        %dma_start3A_255 = arith.constant 0 : i32
        %dma_start3A_256 = tpu.memref_slice %arg22[%dma_start3A_254, %dma_start3A_255] : memref<10000x128xf32, #tpu.memory_space<vmem_shared>> -> memref<10000x128xf32, #tpu.memory_space<vmem_shared>>
        tpu.enqueue_indirect_dma source(%arg21 : memref<112x128xf32, #tpu.memory_space<vmem>>) target(%dma_start3A_256 : memref<10000x128xf32, #tpu.memory_space<vmem_shared>>) offsets(%arg18 : memref<112xi32, #tpu.memory_space<vmem>>) semaphore(%arg34 : memref<!tpu.dma_semaphore, #tpu.memory_space<semaphore_mem>>) {add = true}
      } else {
      }
      %add3A_101 = arith.constant 1 : i32
      %add3A_102 = arith.addi %add3A_71, %add3A_101 : i32
      %ge3A_103 = arith.constant 3 : i32
      %ge3A_104 = arith.cmpi sge, %add3A_102, %ge3A_103 : i32
      %convert_element_type3A_105 = arith.extui %ge3A_104 : i1 to i32
      %cond3A_106 = arith.constant 0 : i32
      %cond3A_107 = arith.cmpi ne, %convert_element_type3A_105, %cond3A_106 : i32
      scf.if %cond3A_107 {
        %dma_wait3A_251 = arith.constant 0 : i32
        %dma_wait3A_252 = arith.constant 0 : i32
        %dma_wait3A_253 = tpu.memref_slice %arg22[%dma_wait3A_251, %dma_wait3A_252] : memref<10000x128xf32, #tpu.memory_space<vmem_shared>> -> memref<10000x128xf32, #tpu.memory_space<vmem_shared>>
        tpu.wait_indirect_dma semaphore(%arg33 : memref<!tpu.dma_semaphore, #tpu.memory_space<semaphore_mem>>) src(%arg20 : memref<112x128xf32, #tpu.memory_space<vmem>>) dst(%dma_wait3A_253 : memref<10000x128xf32, #tpu.memory_space<vmem_shared>>)
      } else {
      }
      %add3A_108 = arith.constant 3 : i32
      %add3A_109 = arith.addi %add3A_102, %add3A_108 : i32
      %lt3A_110 = arith.constant 90 : i32
      %lt3A_111 = arith.cmpi slt, %add3A_109, %lt3A_110 : i32
      %convert_element_type3A_112 = arith.extui %lt3A_111 : i1 to i32
      %cond3A_113 = arith.constant 0 : i32
      %cond3A_114 = arith.cmpi ne, %convert_element_type3A_112, %cond3A_113 : i32
      scf.if %cond3A_114 {
        %add3A_251 = arith.constant 3 : i32
        %add3A_252 = arith.addi %add3A_102, %add3A_251 : i32
        %mul3A_253 = arith.constant 90 : i32
        %mul3A_254 = arith.muli %add3A, %mul3A_253 : i32
        %add3A_255 = arith.addi %mul3A_254, %add3A_252 : i32
        %mul3A_256 = arith.constant 112 : i32
        %mul3A_257 = arith.muli %add3A_255, %mul3A_256 : i32
        %dma_start3A_258 = tpu.memref_slice %arg4[%mul3A_257] : memref<322560xi32, #tpu.memory_space<hbm>> -> memref<112xi32, #tpu.memory_space<hbm>>
        %dma_start3A_259 = tpu.memref_slice %arg4[%mul3A_257] : memref<322560xi32, #tpu.memory_space<hbm>> -> memref<112xi32, #tpu.memory_space<hbm>>
        tpu.enqueue_dma source(%dma_start3A_259 : memref<112xi32, #tpu.memory_space<hbm>>) target(%arg11 : memref<112xi32, #tpu.memory_space<vmem>>) target_semaphore(%arg27 : memref<!tpu.dma_semaphore, #tpu.memory_space<semaphore_mem>>)
        %dma_start3A_260 = tpu.memref_slice %arg3[%mul3A_257] : memref<322560xi32, #tpu.memory_space<hbm>> -> memref<112xi32, #tpu.memory_space<hbm>>
        %dma_start3A_261 = tpu.memref_slice %arg3[%mul3A_257] : memref<322560xi32, #tpu.memory_space<hbm>> -> memref<112xi32, #tpu.memory_space<hbm>>
        tpu.enqueue_dma source(%dma_start3A_261 : memref<112xi32, #tpu.memory_space<hbm>>) target(%arg17 : memref<112xi32, #tpu.memory_space<vmem>>) target_semaphore(%arg27 : memref<!tpu.dma_semaphore, #tpu.memory_space<semaphore_mem>>)
      } else {
      }
      %dma_wait3A_115 = arith.constant 0 : i32
      %dma_wait3A_116 = tpu.memref_slice %arg4[%dma_wait3A_115] : memref<322560xi32, #tpu.memory_space<hbm>> -> memref<112xi32, #tpu.memory_space<hbm>>
      %dma_wait3A_117 = arith.constant 0 : i32
      %dma_wait3A_118 = tpu.memref_slice %arg4[%dma_wait3A_117] : memref<322560xi32, #tpu.memory_space<hbm>> -> memref<112xi32, #tpu.memory_space<hbm>>
      tpu.wait_dma2 semaphore(%arg24 : memref<!tpu.dma_semaphore, #tpu.memory_space<semaphore_mem>>) src(%dma_wait3A_118 : memref<112xi32, #tpu.memory_space<hbm>>) dst(%arg8 : memref<112xi32, #tpu.memory_space<vmem>>)
      %dma_wait3A_119 = arith.constant 0 : i32
      %dma_wait3A_120 = tpu.memref_slice %arg3[%dma_wait3A_119] : memref<322560xi32, #tpu.memory_space<hbm>> -> memref<112xi32, #tpu.memory_space<hbm>>
      %dma_wait3A_121 = arith.constant 0 : i32
      %dma_wait3A_122 = tpu.memref_slice %arg3[%dma_wait3A_121] : memref<322560xi32, #tpu.memory_space<hbm>> -> memref<112xi32, #tpu.memory_space<hbm>>
      tpu.wait_dma2 semaphore(%arg24 : memref<!tpu.dma_semaphore, #tpu.memory_space<semaphore_mem>>) src(%dma_wait3A_122 : memref<112xi32, #tpu.memory_space<hbm>>) dst(%arg14 : memref<112xi32, #tpu.memory_space<vmem>>)
      %dma_start3A_123 = arith.constant 0 : i32
      %dma_start3A_124 = arith.constant 0 : i32
      %dma_start3A_125 = tpu.memref_slice %arg2[%dma_start3A_123, %dma_start3A_124] : memref<10064x128xf32, #tpu.memory_space<hbm>> -> memref<10064x128xf32, #tpu.memory_space<hbm>>
      tpu.enqueue_indirect_dma source(%dma_start3A_125 : memref<10064x128xf32, #tpu.memory_space<hbm>>) target(%arg20 : memref<112x128xf32, #tpu.memory_space<vmem>>) offsets(%arg8 : memref<112xi32, #tpu.memory_space<vmem>>) semaphore(%arg30 : memref<!tpu.dma_semaphore, #tpu.memory_space<semaphore_mem>>)
      %ge3A_126 = arith.constant 1 : i32
      %ge3A_127 = arith.cmpi sge, %add3A_102, %ge3A_126 : i32
      %convert_element_type3A_128 = arith.extui %ge3A_127 : i1 to i32
      %cond3A_129 = arith.constant 0 : i32
      %cond3A_130 = arith.cmpi ne, %convert_element_type3A_128, %cond3A_129 : i32
      scf.if %cond3A_130 {
        %dma_wait3A_251 = arith.constant 0 : i32
        %dma_wait3A_252 = arith.constant 0 : i32
        %dma_wait3A_253 = tpu.memref_slice %arg2[%dma_wait3A_251, %dma_wait3A_252] : memref<10064x128xf32, #tpu.memory_space<hbm>> -> memref<10064x128xf32, #tpu.memory_space<hbm>>
        tpu.wait_indirect_dma semaphore(%arg29 : memref<!tpu.dma_semaphore, #tpu.memory_space<semaphore_mem>>) src(%dma_wait3A_253 : memref<10064x128xf32, #tpu.memory_space<hbm>>) dst(%arg19 : memref<112x128xf32, #tpu.memory_space<vmem>>)
        %dma_start3A_254 = arith.constant 0 : i32
        %dma_start3A_255 = arith.constant 0 : i32
        %dma_start3A_256 = tpu.memref_slice %arg22[%dma_start3A_254, %dma_start3A_255] : memref<10000x128xf32, #tpu.memory_space<vmem_shared>> -> memref<10000x128xf32, #tpu.memory_space<vmem_shared>>
        tpu.enqueue_indirect_dma source(%arg19 : memref<112x128xf32, #tpu.memory_space<vmem>>) target(%dma_start3A_256 : memref<10000x128xf32, #tpu.memory_space<vmem_shared>>) offsets(%arg13 : memref<112xi32, #tpu.memory_space<vmem>>) semaphore(%arg32 : memref<!tpu.dma_semaphore, #tpu.memory_space<semaphore_mem>>) {add = true}
      } else {
      }
      %add3A_131 = arith.constant 2 : i32
      %add3A_132 = arith.addi %add3A_71, %add3A_131 : i32
      %ge3A_133 = arith.constant 3 : i32
      %ge3A_134 = arith.cmpi sge, %add3A_132, %ge3A_133 : i32
      %convert_element_type3A_135 = arith.extui %ge3A_134 : i1 to i32
      %cond3A_136 = arith.constant 0 : i32
      %cond3A_137 = arith.cmpi ne, %convert_element_type3A_135, %cond3A_136 : i32
      scf.if %cond3A_137 {
        %dma_wait3A_251 = arith.constant 0 : i32
        %dma_wait3A_252 = arith.constant 0 : i32
        %dma_wait3A_253 = tpu.memref_slice %arg22[%dma_wait3A_251, %dma_wait3A_252] : memref<10000x128xf32, #tpu.memory_space<vmem_shared>> -> memref<10000x128xf32, #tpu.memory_space<vmem_shared>>
        tpu.wait_indirect_dma semaphore(%arg34 : memref<!tpu.dma_semaphore, #tpu.memory_space<semaphore_mem>>) src(%arg21 : memref<112x128xf32, #tpu.memory_space<vmem>>) dst(%dma_wait3A_253 : memref<10000x128xf32, #tpu.memory_space<vmem_shared>>)
      } else {
      }
      %add3A_138 = arith.constant 3 : i32
      %add3A_139 = arith.addi %add3A_132, %add3A_138 : i32
      %lt3A_140 = arith.constant 90 : i32
      %lt3A_141 = arith.cmpi slt, %add3A_139, %lt3A_140 : i32
      %convert_element_type3A_142 = arith.extui %lt3A_141 : i1 to i32
      %cond3A_143 = arith.constant 0 : i32
      %cond3A_144 = arith.cmpi ne, %convert_element_type3A_142, %cond3A_143 : i32
      scf.if %cond3A_144 {
        %add3A_251 = arith.constant 3 : i32
        %add3A_252 = arith.addi %add3A_132, %add3A_251 : i32
        %mul3A_253 = arith.constant 90 : i32
        %mul3A_254 = arith.muli %add3A, %mul3A_253 : i32
        %add3A_255 = arith.addi %mul3A_254, %add3A_252 : i32
        %mul3A_256 = arith.constant 112 : i32
        %mul3A_257 = arith.muli %add3A_255, %mul3A_256 : i32
        %dma_start3A_258 = tpu.memref_slice %arg4[%mul3A_257] : memref<322560xi32, #tpu.memory_space<hbm>> -> memref<112xi32, #tpu.memory_space<hbm>>
        %dma_start3A_259 = tpu.memref_slice %arg4[%mul3A_257] : memref<322560xi32, #tpu.memory_space<hbm>> -> memref<112xi32, #tpu.memory_space<hbm>>
        tpu.enqueue_dma source(%dma_start3A_259 : memref<112xi32, #tpu.memory_space<hbm>>) target(%arg12 : memref<112xi32, #tpu.memory_space<vmem>>) target_semaphore(%arg28 : memref<!tpu.dma_semaphore, #tpu.memory_space<semaphore_mem>>)
        %dma_start3A_260 = tpu.memref_slice %arg3[%mul3A_257] : memref<322560xi32, #tpu.memory_space<hbm>> -> memref<112xi32, #tpu.memory_space<hbm>>
        %dma_start3A_261 = tpu.memref_slice %arg3[%mul3A_257] : memref<322560xi32, #tpu.memory_space<hbm>> -> memref<112xi32, #tpu.memory_space<hbm>>
        tpu.enqueue_dma source(%dma_start3A_261 : memref<112xi32, #tpu.memory_space<hbm>>) target(%arg18 : memref<112xi32, #tpu.memory_space<vmem>>) target_semaphore(%arg28 : memref<!tpu.dma_semaphore, #tpu.memory_space<semaphore_mem>>)
      } else {
      }
      %dma_wait3A_145 = arith.constant 0 : i32
      %dma_wait3A_146 = tpu.memref_slice %arg4[%dma_wait3A_145] : memref<322560xi32, #tpu.memory_space<hbm>> -> memref<112xi32, #tpu.memory_space<hbm>>
      %dma_wait3A_147 = arith.constant 0 : i32
      %dma_wait3A_148 = tpu.memref_slice %arg4[%dma_wait3A_147] : memref<322560xi32, #tpu.memory_space<hbm>> -> memref<112xi32, #tpu.memory_space<hbm>>
      tpu.wait_dma2 semaphore(%arg25 : memref<!tpu.dma_semaphore, #tpu.memory_space<semaphore_mem>>) src(%dma_wait3A_148 : memref<112xi32, #tpu.memory_space<hbm>>) dst(%arg9 : memref<112xi32, #tpu.memory_space<vmem>>)
      %dma_wait3A_149 = arith.constant 0 : i32
      %dma_wait3A_150 = tpu.memref_slice %arg3[%dma_wait3A_149] : memref<322560xi32, #tpu.memory_space<hbm>> -> memref<112xi32, #tpu.memory_space<hbm>>
      %dma_wait3A_151 = arith.constant 0 : i32
      %dma_wait3A_152 = tpu.memref_slice %arg3[%dma_wait3A_151] : memref<322560xi32, #tpu.memory_space<hbm>> -> memref<112xi32, #tpu.memory_space<hbm>>
      tpu.wait_dma2 semaphore(%arg25 : memref<!tpu.dma_semaphore, #tpu.memory_space<semaphore_mem>>) src(%dma_wait3A_152 : memref<112xi32, #tpu.memory_space<hbm>>) dst(%arg15 : memref<112xi32, #tpu.memory_space<vmem>>)
      %dma_start3A_153 = arith.constant 0 : i32
      %dma_start3A_154 = arith.constant 0 : i32
      %dma_start3A_155 = tpu.memref_slice %arg2[%dma_start3A_153, %dma_start3A_154] : memref<10064x128xf32, #tpu.memory_space<hbm>> -> memref<10064x128xf32, #tpu.memory_space<hbm>>
      tpu.enqueue_indirect_dma source(%dma_start3A_155 : memref<10064x128xf32, #tpu.memory_space<hbm>>) target(%arg21 : memref<112x128xf32, #tpu.memory_space<vmem>>) offsets(%arg9 : memref<112xi32, #tpu.memory_space<vmem>>) semaphore(%arg31 : memref<!tpu.dma_semaphore, #tpu.memory_space<semaphore_mem>>)
      %ge3A_156 = arith.constant 1 : i32
      %ge3A_157 = arith.cmpi sge, %add3A_132, %ge3A_156 : i32
      %convert_element_type3A_158 = arith.extui %ge3A_157 : i1 to i32
      %cond3A_159 = arith.constant 0 : i32
      %cond3A_160 = arith.cmpi ne, %convert_element_type3A_158, %cond3A_159 : i32
      scf.if %cond3A_160 {
        %dma_wait3A_251 = arith.constant 0 : i32
        %dma_wait3A_252 = arith.constant 0 : i32
        %dma_wait3A_253 = tpu.memref_slice %arg2[%dma_wait3A_251, %dma_wait3A_252] : memref<10064x128xf32, #tpu.memory_space<hbm>> -> memref<10064x128xf32, #tpu.memory_space<hbm>>
        tpu.wait_indirect_dma semaphore(%arg30 : memref<!tpu.dma_semaphore, #tpu.memory_space<semaphore_mem>>) src(%dma_wait3A_253 : memref<10064x128xf32, #tpu.memory_space<hbm>>) dst(%arg20 : memref<112x128xf32, #tpu.memory_space<vmem>>)
        %dma_start3A_254 = arith.constant 0 : i32
        %dma_start3A_255 = arith.constant 0 : i32
        %dma_start3A_256 = tpu.memref_slice %arg22[%dma_start3A_254, %dma_start3A_255] : memref<10000x128xf32, #tpu.memory_space<vmem_shared>> -> memref<10000x128xf32, #tpu.memory_space<vmem_shared>>
        tpu.enqueue_indirect_dma source(%arg20 : memref<112x128xf32, #tpu.memory_space<vmem>>) target(%dma_start3A_256 : memref<10000x128xf32, #tpu.memory_space<vmem_shared>>) offsets(%arg14 : memref<112xi32, #tpu.memory_space<vmem>>) semaphore(%arg33 : memref<!tpu.dma_semaphore, #tpu.memory_space<semaphore_mem>>) {add = true}
      } else {
      }
      %add3A_161 = arith.constant 3 : i32
      %add3A_162 = arith.addi %add3A_71, %add3A_161 : i32
      %ge3A_163 = arith.constant 3 : i32
      %ge3A_164 = arith.cmpi sge, %add3A_162, %ge3A_163 : i32
      %convert_element_type3A_165 = arith.extui %ge3A_164 : i1 to i32
      %cond3A_166 = arith.constant 0 : i32
      %cond3A_167 = arith.cmpi ne, %convert_element_type3A_165, %cond3A_166 : i32
      scf.if %cond3A_167 {
        %dma_wait3A_251 = arith.constant 0 : i32
        %dma_wait3A_252 = arith.constant 0 : i32
        %dma_wait3A_253 = tpu.memref_slice %arg22[%dma_wait3A_251, %dma_wait3A_252] : memref<10000x128xf32, #tpu.memory_space<vmem_shared>> -> memref<10000x128xf32, #tpu.memory_space<vmem_shared>>
        tpu.wait_indirect_dma semaphore(%arg32 : memref<!tpu.dma_semaphore, #tpu.memory_space<semaphore_mem>>) src(%arg19 : memref<112x128xf32, #tpu.memory_space<vmem>>) dst(%dma_wait3A_253 : memref<10000x128xf32, #tpu.memory_space<vmem_shared>>)
      } else {
      }
      %add3A_168 = arith.constant 3 : i32
      %add3A_169 = arith.addi %add3A_162, %add3A_168 : i32
      %lt3A_170 = arith.constant 90 : i32
      %lt3A_171 = arith.cmpi slt, %add3A_169, %lt3A_170 : i32
      %convert_element_type3A_172 = arith.extui %lt3A_171 : i1 to i32
      %cond3A_173 = arith.constant 0 : i32
      %cond3A_174 = arith.cmpi ne, %convert_element_type3A_172, %cond3A_173 : i32
      scf.if %cond3A_174 {
        %add3A_251 = arith.constant 3 : i32
        %add3A_252 = arith.addi %add3A_162, %add3A_251 : i32
        %mul3A_253 = arith.constant 90 : i32
        %mul3A_254 = arith.muli %add3A, %mul3A_253 : i32
        %add3A_255 = arith.addi %mul3A_254, %add3A_252 : i32
        %mul3A_256 = arith.constant 112 : i32
        %mul3A_257 = arith.muli %add3A_255, %mul3A_256 : i32
        %dma_start3A_258 = tpu.memref_slice %arg4[%mul3A_257] : memref<322560xi32, #tpu.memory_space<hbm>> -> memref<112xi32, #tpu.memory_space<hbm>>
        %dma_start3A_259 = tpu.memref_slice %arg4[%mul3A_257] : memref<322560xi32, #tpu.memory_space<hbm>> -> memref<112xi32, #tpu.memory_space<hbm>>
        tpu.enqueue_dma source(%dma_start3A_259 : memref<112xi32, #tpu.memory_space<hbm>>) target(%arg7 : memref<112xi32, #tpu.memory_space<vmem>>) target_semaphore(%arg23 : memref<!tpu.dma_semaphore, #tpu.memory_space<semaphore_mem>>)
        %dma_start3A_260 = tpu.memref_slice %arg3[%mul3A_257] : memref<322560xi32, #tpu.memory_space<hbm>> -> memref<112xi32, #tpu.memory_space<hbm>>
        %dma_start3A_261 = tpu.memref_slice %arg3[%mul3A_257] : memref<322560xi32, #tpu.memory_space<hbm>> -> memref<112xi32, #tpu.memory_space<hbm>>
        tpu.enqueue_dma source(%dma_start3A_261 : memref<112xi32, #tpu.memory_space<hbm>>) target(%arg13 : memref<112xi32, #tpu.memory_space<vmem>>) target_semaphore(%arg23 : memref<!tpu.dma_semaphore, #tpu.memory_space<semaphore_mem>>)
      } else {
      }
      %dma_wait3A_175 = arith.constant 0 : i32
      %dma_wait3A_176 = tpu.memref_slice %arg4[%dma_wait3A_175] : memref<322560xi32, #tpu.memory_space<hbm>> -> memref<112xi32, #tpu.memory_space<hbm>>
      %dma_wait3A_177 = arith.constant 0 : i32
      %dma_wait3A_178 = tpu.memref_slice %arg4[%dma_wait3A_177] : memref<322560xi32, #tpu.memory_space<hbm>> -> memref<112xi32, #tpu.memory_space<hbm>>
      tpu.wait_dma2 semaphore(%arg26 : memref<!tpu.dma_semaphore, #tpu.memory_space<semaphore_mem>>) src(%dma_wait3A_178 : memref<112xi32, #tpu.memory_space<hbm>>) dst(%arg10 : memref<112xi32, #tpu.memory_space<vmem>>)
      %dma_wait3A_179 = arith.constant 0 : i32
      %dma_wait3A_180 = tpu.memref_slice %arg3[%dma_wait3A_179] : memref<322560xi32, #tpu.memory_space<hbm>> -> memref<112xi32, #tpu.memory_space<hbm>>
      %dma_wait3A_181 = arith.constant 0 : i32
      %dma_wait3A_182 = tpu.memref_slice %arg3[%dma_wait3A_181] : memref<322560xi32, #tpu.memory_space<hbm>> -> memref<112xi32, #tpu.memory_space<hbm>>
      tpu.wait_dma2 semaphore(%arg26 : memref<!tpu.dma_semaphore, #tpu.memory_space<semaphore_mem>>) src(%dma_wait3A_182 : memref<112xi32, #tpu.memory_space<hbm>>) dst(%arg16 : memref<112xi32, #tpu.memory_space<vmem>>)
      %dma_start3A_183 = arith.constant 0 : i32
      %dma_start3A_184 = arith.constant 0 : i32
      %dma_start3A_185 = tpu.memref_slice %arg2[%dma_start3A_183, %dma_start3A_184] : memref<10064x128xf32, #tpu.memory_space<hbm>> -> memref<10064x128xf32, #tpu.memory_space<hbm>>
      tpu.enqueue_indirect_dma source(%dma_start3A_185 : memref<10064x128xf32, #tpu.memory_space<hbm>>) target(%arg19 : memref<112x128xf32, #tpu.memory_space<vmem>>) offsets(%arg10 : memref<112xi32, #tpu.memory_space<vmem>>) semaphore(%arg29 : memref<!tpu.dma_semaphore, #tpu.memory_space<semaphore_mem>>)
      %ge3A_186 = arith.constant 1 : i32
      %ge3A_187 = arith.cmpi sge, %add3A_162, %ge3A_186 : i32
      %convert_element_type3A_188 = arith.extui %ge3A_187 : i1 to i32
      %cond3A_189 = arith.constant 0 : i32
      %cond3A_190 = arith.cmpi ne, %convert_element_type3A_188, %cond3A_189 : i32
      scf.if %cond3A_190 {
        %dma_wait3A_251 = arith.constant 0 : i32
        %dma_wait3A_252 = arith.constant 0 : i32
        %dma_wait3A_253 = tpu.memref_slice %arg2[%dma_wait3A_251, %dma_wait3A_252] : memref<10064x128xf32, #tpu.memory_space<hbm>> -> memref<10064x128xf32, #tpu.memory_space<hbm>>
        tpu.wait_indirect_dma semaphore(%arg31 : memref<!tpu.dma_semaphore, #tpu.memory_space<semaphore_mem>>) src(%dma_wait3A_253 : memref<10064x128xf32, #tpu.memory_space<hbm>>) dst(%arg21 : memref<112x128xf32, #tpu.memory_space<vmem>>)
        %dma_start3A_254 = arith.constant 0 : i32
        %dma_start3A_255 = arith.constant 0 : i32
        %dma_start3A_256 = tpu.memref_slice %arg22[%dma_start3A_254, %dma_start3A_255] : memref<10000x128xf32, #tpu.memory_space<vmem_shared>> -> memref<10000x128xf32, #tpu.memory_space<vmem_shared>>
        tpu.enqueue_indirect_dma source(%arg21 : memref<112x128xf32, #tpu.memory_space<vmem>>) target(%dma_start3A_256 : memref<10000x128xf32, #tpu.memory_space<vmem_shared>>) offsets(%arg15 : memref<112xi32, #tpu.memory_space<vmem>>) semaphore(%arg34 : memref<!tpu.dma_semaphore, #tpu.memory_space<semaphore_mem>>) {add = true}
      } else {
      }
      %add3A_191 = arith.constant 4 : i32
      %add3A_192 = arith.addi %add3A_71, %add3A_191 : i32
      %ge3A_193 = arith.constant 3 : i32
      %ge3A_194 = arith.cmpi sge, %add3A_192, %ge3A_193 : i32
      %convert_element_type3A_195 = arith.extui %ge3A_194 : i1 to i32
      %cond3A_196 = arith.constant 0 : i32
      %cond3A_197 = arith.cmpi ne, %convert_element_type3A_195, %cond3A_196 : i32
      scf.if %cond3A_197 {
        %dma_wait3A_251 = arith.constant 0 : i32
        %dma_wait3A_252 = arith.constant 0 : i32
        %dma_wait3A_253 = tpu.memref_slice %arg22[%dma_wait3A_251, %dma_wait3A_252] : memref<10000x128xf32, #tpu.memory_space<vmem_shared>> -> memref<10000x128xf32, #tpu.memory_space<vmem_shared>>
        tpu.wait_indirect_dma semaphore(%arg33 : memref<!tpu.dma_semaphore, #tpu.memory_space<semaphore_mem>>) src(%arg20 : memref<112x128xf32, #tpu.memory_space<vmem>>) dst(%dma_wait3A_253 : memref<10000x128xf32, #tpu.memory_space<vmem_shared>>)
      } else {
      }
      %add3A_198 = arith.constant 3 : i32
      %add3A_199 = arith.addi %add3A_192, %add3A_198 : i32
      %lt3A_200 = arith.constant 90 : i32
      %lt3A_201 = arith.cmpi slt, %add3A_199, %lt3A_200 : i32
      %convert_element_type3A_202 = arith.extui %lt3A_201 : i1 to i32
      %cond3A_203 = arith.constant 0 : i32
      %cond3A_204 = arith.cmpi ne, %convert_element_type3A_202, %cond3A_203 : i32
      scf.if %cond3A_204 {
        %add3A_251 = arith.constant 3 : i32
        %add3A_252 = arith.addi %add3A_192, %add3A_251 : i32
        %mul3A_253 = arith.constant 90 : i32
        %mul3A_254 = arith.muli %add3A, %mul3A_253 : i32
        %add3A_255 = arith.addi %mul3A_254, %add3A_252 : i32
        %mul3A_256 = arith.constant 112 : i32
        %mul3A_257 = arith.muli %add3A_255, %mul3A_256 : i32
        %dma_start3A_258 = tpu.memref_slice %arg4[%mul3A_257] : memref<322560xi32, #tpu.memory_space<hbm>> -> memref<112xi32, #tpu.memory_space<hbm>>
        %dma_start3A_259 = tpu.memref_slice %arg4[%mul3A_257] : memref<322560xi32, #tpu.memory_space<hbm>> -> memref<112xi32, #tpu.memory_space<hbm>>
        tpu.enqueue_dma source(%dma_start3A_259 : memref<112xi32, #tpu.memory_space<hbm>>) target(%arg8 : memref<112xi32, #tpu.memory_space<vmem>>) target_semaphore(%arg24 : memref<!tpu.dma_semaphore, #tpu.memory_space<semaphore_mem>>)
        %dma_start3A_260 = tpu.memref_slice %arg3[%mul3A_257] : memref<322560xi32, #tpu.memory_space<hbm>> -> memref<112xi32, #tpu.memory_space<hbm>>
        %dma_start3A_261 = tpu.memref_slice %arg3[%mul3A_257] : memref<322560xi32, #tpu.memory_space<hbm>> -> memref<112xi32, #tpu.memory_space<hbm>>
        tpu.enqueue_dma source(%dma_start3A_261 : memref<112xi32, #tpu.memory_space<hbm>>) target(%arg14 : memref<112xi32, #tpu.memory_space<vmem>>) target_semaphore(%arg24 : memref<!tpu.dma_semaphore, #tpu.memory_space<semaphore_mem>>)
      } else {
      }
      %dma_wait3A_205 = arith.constant 0 : i32
      %dma_wait3A_206 = tpu.memref_slice %arg4[%dma_wait3A_205] : memref<322560xi32, #tpu.memory_space<hbm>> -> memref<112xi32, #tpu.memory_space<hbm>>
      %dma_wait3A_207 = arith.constant 0 : i32
      %dma_wait3A_208 = tpu.memref_slice %arg4[%dma_wait3A_207] : memref<322560xi32, #tpu.memory_space<hbm>> -> memref<112xi32, #tpu.memory_space<hbm>>
      tpu.wait_dma2 semaphore(%arg27 : memref<!tpu.dma_semaphore, #tpu.memory_space<semaphore_mem>>) src(%dma_wait3A_208 : memref<112xi32, #tpu.memory_space<hbm>>) dst(%arg11 : memref<112xi32, #tpu.memory_space<vmem>>)
      %dma_wait3A_209 = arith.constant 0 : i32
      %dma_wait3A_210 = tpu.memref_slice %arg3[%dma_wait3A_209] : memref<322560xi32, #tpu.memory_space<hbm>> -> memref<112xi32, #tpu.memory_space<hbm>>
      %dma_wait3A_211 = arith.constant 0 : i32
      %dma_wait3A_212 = tpu.memref_slice %arg3[%dma_wait3A_211] : memref<322560xi32, #tpu.memory_space<hbm>> -> memref<112xi32, #tpu.memory_space<hbm>>
      tpu.wait_dma2 semaphore(%arg27 : memref<!tpu.dma_semaphore, #tpu.memory_space<semaphore_mem>>) src(%dma_wait3A_212 : memref<112xi32, #tpu.memory_space<hbm>>) dst(%arg17 : memref<112xi32, #tpu.memory_space<vmem>>)
      %dma_start3A_213 = arith.constant 0 : i32
      %dma_start3A_214 = arith.constant 0 : i32
      %dma_start3A_215 = tpu.memref_slice %arg2[%dma_start3A_213, %dma_start3A_214] : memref<10064x128xf32, #tpu.memory_space<hbm>> -> memref<10064x128xf32, #tpu.memory_space<hbm>>
      tpu.enqueue_indirect_dma source(%dma_start3A_215 : memref<10064x128xf32, #tpu.memory_space<hbm>>) target(%arg20 : memref<112x128xf32, #tpu.memory_space<vmem>>) offsets(%arg11 : memref<112xi32, #tpu.memory_space<vmem>>) semaphore(%arg30 : memref<!tpu.dma_semaphore, #tpu.memory_space<semaphore_mem>>)
      %ge3A_216 = arith.constant 1 : i32
      %ge3A_217 = arith.cmpi sge, %add3A_192, %ge3A_216 : i32
      %convert_element_type3A_218 = arith.extui %ge3A_217 : i1 to i32
      %cond3A_219 = arith.constant 0 : i32
      %cond3A_220 = arith.cmpi ne, %convert_element_type3A_218, %cond3A_219 : i32
      scf.if %cond3A_220 {
        %dma_wait3A_251 = arith.constant 0 : i32
        %dma_wait3A_252 = arith.constant 0 : i32
        %dma_wait3A_253 = tpu.memref_slice %arg2[%dma_wait3A_251, %dma_wait3A_252] : memref<10064x128xf32, #tpu.memory_space<hbm>> -> memref<10064x128xf32, #tpu.memory_space<hbm>>
        tpu.wait_indirect_dma semaphore(%arg29 : memref<!tpu.dma_semaphore, #tpu.memory_space<semaphore_mem>>) src(%dma_wait3A_253 : memref<10064x128xf32, #tpu.memory_space<hbm>>) dst(%arg19 : memref<112x128xf32, #tpu.memory_space<vmem>>)
        %dma_start3A_254 = arith.constant 0 : i32
        %dma_start3A_255 = arith.constant 0 : i32
        %dma_start3A_256 = tpu.memref_slice %arg22[%dma_start3A_254, %dma_start3A_255] : memref<10000x128xf32, #tpu.memory_space<vmem_shared>> -> memref<10000x128xf32, #tpu.memory_space<vmem_shared>>
        tpu.enqueue_indirect_dma source(%arg19 : memref<112x128xf32, #tpu.memory_space<vmem>>) target(%dma_start3A_256 : memref<10000x128xf32, #tpu.memory_space<vmem_shared>>) offsets(%arg16 : memref<112xi32, #tpu.memory_space<vmem>>) semaphore(%arg32 : memref<!tpu.dma_semaphore, #tpu.memory_space<semaphore_mem>>) {add = true}
      } else {
      }
      %add3A_221 = arith.constant 5 : i32
      %add3A_222 = arith.addi %add3A_71, %add3A_221 : i32
      %ge3A_223 = arith.constant 3 : i32
      %ge3A_224 = arith.cmpi sge, %add3A_222, %ge3A_223 : i32
      %convert_element_type3A_225 = arith.extui %ge3A_224 : i1 to i32
      %cond3A_226 = arith.constant 0 : i32
      %cond3A_227 = arith.cmpi ne, %convert_element_type3A_225, %cond3A_226 : i32
      scf.if %cond3A_227 {
        %dma_wait3A_251 = arith.constant 0 : i32
        %dma_wait3A_252 = arith.constant 0 : i32
        %dma_wait3A_253 = tpu.memref_slice %arg22[%dma_wait3A_251, %dma_wait3A_252] : memref<10000x128xf32, #tpu.memory_space<vmem_shared>> -> memref<10000x128xf32, #tpu.memory_space<vmem_shared>>
        tpu.wait_indirect_dma semaphore(%arg34 : memref<!tpu.dma_semaphore, #tpu.memory_space<semaphore_mem>>) src(%arg21 : memref<112x128xf32, #tpu.memory_space<vmem>>) dst(%dma_wait3A_253 : memref<10000x128xf32, #tpu.memory_space<vmem_shared>>)
      } else {
      }
      %add3A_228 = arith.constant 3 : i32
      %add3A_229 = arith.addi %add3A_222, %add3A_228 : i32
      %lt3A_230 = arith.constant 90 : i32
      %lt3A_231 = arith.cmpi slt, %add3A_229, %lt3A_230 : i32
      %convert_element_type3A_232 = arith.extui %lt3A_231 : i1 to i32
      %cond3A_233 = arith.constant 0 : i32
      %cond3A_234 = arith.cmpi ne, %convert_element_type3A_232, %cond3A_233 : i32
      scf.if %cond3A_234 {
        %add3A_251 = arith.constant 3 : i32
        %add3A_252 = arith.addi %add3A_222, %add3A_251 : i32
        %mul3A_253 = arith.constant 90 : i32
        %mul3A_254 = arith.muli %add3A, %mul3A_253 : i32
        %add3A_255 = arith.addi %mul3A_254, %add3A_252 : i32
        %mul3A_256 = arith.constant 112 : i32
        %mul3A_257 = arith.muli %add3A_255, %mul3A_256 : i32
        %dma_start3A_258 = tpu.memref_slice %arg4[%mul3A_257] : memref<322560xi32, #tpu.memory_space<hbm>> -> memref<112xi32, #tpu.memory_space<hbm>>
        %dma_start3A_259 = tpu.memref_slice %arg4[%mul3A_257] : memref<322560xi32, #tpu.memory_space<hbm>> -> memref<112xi32, #tpu.memory_space<hbm>>
        tpu.enqueue_dma source(%dma_start3A_259 : memref<112xi32, #tpu.memory_space<hbm>>) target(%arg9 : memref<112xi32, #tpu.memory_space<vmem>>) target_semaphore(%arg25 : memref<!tpu.dma_semaphore, #tpu.memory_space<semaphore_mem>>)
        %dma_start3A_260 = tpu.memref_slice %arg3[%mul3A_257] : memref<322560xi32, #tpu.memory_space<hbm>> -> memref<112xi32, #tpu.memory_space<hbm>>
        %dma_start3A_261 = tpu.memref_slice %arg3[%mul3A_257] : memref<322560xi32, #tpu.memory_space<hbm>> -> memref<112xi32, #tpu.memory_space<hbm>>
        tpu.enqueue_dma source(%dma_start3A_261 : memref<112xi32, #tpu.memory_space<hbm>>) target(%arg15 : memref<112xi32, #tpu.memory_space<vmem>>) target_semaphore(%arg25 : memref<!tpu.dma_semaphore, #tpu.memory_space<semaphore_mem>>)
      } else {
      }
      %dma_wait3A_235 = arith.constant 0 : i32
      %dma_wait3A_236 = tpu.memref_slice %arg4[%dma_wait3A_235] : memref<322560xi32, #tpu.memory_space<hbm>> -> memref<112xi32, #tpu.memory_space<hbm>>
      %dma_wait3A_237 = arith.constant 0 : i32
      %dma_wait3A_238 = tpu.memref_slice %arg4[%dma_wait3A_237] : memref<322560xi32, #tpu.memory_space<hbm>> -> memref<112xi32, #tpu.memory_space<hbm>>
      tpu.wait_dma2 semaphore(%arg28 : memref<!tpu.dma_semaphore, #tpu.memory_space<semaphore_mem>>) src(%dma_wait3A_238 : memref<112xi32, #tpu.memory_space<hbm>>) dst(%arg12 : memref<112xi32, #tpu.memory_space<vmem>>)
      %dma_wait3A_239 = arith.constant 0 : i32
      %dma_wait3A_240 = tpu.memref_slice %arg3[%dma_wait3A_239] : memref<322560xi32, #tpu.memory_space<hbm>> -> memref<112xi32, #tpu.memory_space<hbm>>
      %dma_wait3A_241 = arith.constant 0 : i32
      %dma_wait3A_242 = tpu.memref_slice %arg3[%dma_wait3A_241] : memref<322560xi32, #tpu.memory_space<hbm>> -> memref<112xi32, #tpu.memory_space<hbm>>
      tpu.wait_dma2 semaphore(%arg28 : memref<!tpu.dma_semaphore, #tpu.memory_space<semaphore_mem>>) src(%dma_wait3A_242 : memref<112xi32, #tpu.memory_space<hbm>>) dst(%arg18 : memref<112xi32, #tpu.memory_space<vmem>>)
      %dma_start3A_243 = arith.constant 0 : i32
      %dma_start3A_244 = arith.constant 0 : i32
      %dma_start3A_245 = tpu.memref_slice %arg2[%dma_start3A_243, %dma_start3A_244] : memref<10064x128xf32, #tpu.memory_space<hbm>> -> memref<10064x128xf32, #tpu.memory_space<hbm>>
      tpu.enqueue_indirect_dma source(%dma_start3A_245 : memref<10064x128xf32, #tpu.memory_space<hbm>>) target(%arg21 : memref<112x128xf32, #tpu.memory_space<vmem>>) offsets(%arg12 : memref<112xi32, #tpu.memory_space<vmem>>) semaphore(%arg31 : memref<!tpu.dma_semaphore, #tpu.memory_space<semaphore_mem>>)
      %ge3A_246 = arith.constant 1 : i32
      %ge3A_247 = arith.cmpi sge, %add3A_222, %ge3A_246 : i32
      %convert_element_type3A_248 = arith.extui %ge3A_247 : i1 to i32
      %cond3A_249 = arith.constant 0 : i32
      %cond3A_250 = arith.cmpi ne, %convert_element_type3A_248, %cond3A_249 : i32
      scf.if %cond3A_250 {
        %dma_wait3A_251 = arith.constant 0 : i32
        %dma_wait3A_252 = arith.constant 0 : i32
        %dma_wait3A_253 = tpu.memref_slice %arg2[%dma_wait3A_251, %dma_wait3A_252] : memref<10064x128xf32, #tpu.memory_space<hbm>> -> memref<10064x128xf32, #tpu.memory_space<hbm>>
        tpu.wait_indirect_dma semaphore(%arg30 : memref<!tpu.dma_semaphore, #tpu.memory_space<semaphore_mem>>) src(%dma_wait3A_253 : memref<10064x128xf32, #tpu.memory_space<hbm>>) dst(%arg20 : memref<112x128xf32, #tpu.memory_space<vmem>>)
        %dma_start3A_254 = arith.constant 0 : i32
        %dma_start3A_255 = arith.constant 0 : i32
        %dma_start3A_256 = tpu.memref_slice %arg22[%dma_start3A_254, %dma_start3A_255] : memref<10000x128xf32, #tpu.memory_space<vmem_shared>> -> memref<10000x128xf32, #tpu.memory_space<vmem_shared>>
        tpu.enqueue_indirect_dma source(%arg20 : memref<112x128xf32, #tpu.memory_space<vmem>>) target(%dma_start3A_256 : memref<10000x128xf32, #tpu.memory_space<vmem_shared>>) offsets(%arg17 : memref<112xi32, #tpu.memory_space<vmem>>) semaphore(%arg33 : memref<!tpu.dma_semaphore, #tpu.memory_space<semaphore_mem>>) {add = true}
      } else {
      }
    }
    %scan3A_41 = arith.constant 15 : i32
    %dma_wait3A = arith.constant 0 : i32
    %dma_wait3A_42 = arith.constant 0 : i32
    %dma_wait3A_43 = tpu.memref_slice %arg2[%dma_wait3A, %dma_wait3A_42] : memref<10064x128xf32, #tpu.memory_space<hbm>> -> memref<10064x128xf32, #tpu.memory_space<hbm>>
    tpu.wait_indirect_dma semaphore(%arg31 : memref<!tpu.dma_semaphore, #tpu.memory_space<semaphore_mem>>) src(%dma_wait3A_43 : memref<10064x128xf32, #tpu.memory_space<hbm>>) dst(%arg21 : memref<112x128xf32, #tpu.memory_space<vmem>>)
    %dma_start3A_44 = arith.constant 0 : i32
    %dma_start3A_45 = arith.constant 0 : i32
    %dma_start3A_46 = tpu.memref_slice %arg22[%dma_start3A_44, %dma_start3A_45] : memref<10000x128xf32, #tpu.memory_space<vmem_shared>> -> memref<10000x128xf32, #tpu.memory_space<vmem_shared>>
    tpu.enqueue_indirect_dma source(%arg21 : memref<112x128xf32, #tpu.memory_space<vmem>>) target(%dma_start3A_46 : memref<10000x128xf32, #tpu.memory_space<vmem_shared>>) offsets(%arg18 : memref<112xi32, #tpu.memory_space<vmem>>) semaphore(%arg34 : memref<!tpu.dma_semaphore, #tpu.memory_space<semaphore_mem>>) {add = true}
    %dma_wait3A_47 = arith.constant 0 : i32
    %dma_wait3A_48 = arith.constant 0 : i32
    %dma_wait3A_49 = tpu.memref_slice %arg22[%dma_wait3A_47, %dma_wait3A_48] : memref<10000x128xf32, #tpu.memory_space<vmem_shared>> -> memref<10000x128xf32, #tpu.memory_space<vmem_shared>>
    tpu.wait_indirect_dma semaphore(%arg32 : memref<!tpu.dma_semaphore, #tpu.memory_space<semaphore_mem>>) src(%arg19 : memref<112x128xf32, #tpu.memory_space<vmem>>) dst(%dma_wait3A_49 : memref<10000x128xf32, #tpu.memory_space<vmem_shared>>)
    %dma_wait3A_50 = arith.constant 0 : i32
    %dma_wait3A_51 = arith.constant 0 : i32
    %dma_wait3A_52 = tpu.memref_slice %arg22[%dma_wait3A_50, %dma_wait3A_51] : memref<10000x128xf32, #tpu.memory_space<vmem_shared>> -> memref<10000x128xf32, #tpu.memory_space<vmem_shared>>
    tpu.wait_indirect_dma semaphore(%arg33 : memref<!tpu.dma_semaphore, #tpu.memory_space<semaphore_mem>>) src(%arg20 : memref<112x128xf32, #tpu.memory_space<vmem>>) dst(%dma_wait3A_52 : memref<10000x128xf32, #tpu.memory_space<vmem_shared>>)
    %dma_wait3A_53 = arith.constant 0 : i32
    %dma_wait3A_54 = arith.constant 0 : i32
    %dma_wait3A_55 = tpu.memref_slice %arg22[%dma_wait3A_53, %dma_wait3A_54] : memref<10000x128xf32, #tpu.memory_space<vmem_shared>> -> memref<10000x128xf32, #tpu.memory_space<vmem_shared>>
    tpu.wait_indirect_dma semaphore(%arg34 : memref<!tpu.dma_semaphore, #tpu.memory_space<semaphore_mem>>) src(%arg21 : memref<112x128xf32, #tpu.memory_space<vmem>>) dst(%dma_wait3A_55 : memref<10000x128xf32, #tpu.memory_space<vmem_shared>>)
    %barrier3A_56 = arith.constant 0 : index
    tpu.barrier barrier_id(%barrier3A_56)
    %lt3A_57 = arith.constant 15 : i32
    %lt3A_58 = arith.cmpi slt, %arg1, %lt3A_57 : i32
    %convert_element_type3A_59 = arith.extui %lt3A_58 : i1 to i32
    %cond3A_60 = arith.constant 0 : i32
    %cond3A_61 = arith.cmpi ne, %convert_element_type3A_59, %cond3A_60 : i32
    scf.if %cond3A_61 {
      "tpu.region"() ({
        %run_scoped3A = tpu.sem_alloc : memref<!tpu.dma_semaphore, #tpu.memory_space<semaphore_mem>>
        %dma_start3A_67 = arith.constant 0 : i32
        %dma_start3A_68 = tpu.memref_slice %arg6[%arg0, %mul3A_2, %dma_start3A_67] : memref<2x10000x128xf32, #tpu.memory_space<hbm>> -> memref<1x632x128xf32, #tpu.memory_space<hbm>>
        %dma_start3A_69 = tpu.memref_squeeze %dma_start3A_68 : memref<1x632x128xf32, #tpu.memory_space<hbm>> -> memref<632x128xf32, #tpu.memory_space<hbm>>
        %dma_start3A_70 = arith.constant 0 : i32
        %dma_start3A_71 = tpu.memref_slice %arg22[%mul3A_2, %dma_start3A_70] : memref<10000x128xf32, #tpu.memory_space<vmem_shared>> -> memref<632x128xf32, #tpu.memory_space<vmem_shared>>
        tpu.enqueue_dma source(%dma_start3A_71 : memref<632x128xf32, #tpu.memory_space<vmem_shared>>) target(%dma_start3A_69 : memref<632x128xf32, #tpu.memory_space<hbm>>) target_semaphore(%run_scoped3A : memref<!tpu.dma_semaphore, #tpu.memory_space<semaphore_mem>>)
        %dma_wait3A_72 = arith.constant 0 : i32
        %dma_wait3A_73 = tpu.memref_slice %arg6[%arg0, %mul3A_2, %dma_wait3A_72] : memref<2x10000x128xf32, #tpu.memory_space<hbm>> -> memref<1x632x128xf32, #tpu.memory_space<hbm>>
        %dma_wait3A_74 = tpu.memref_squeeze %dma_wait3A_73 : memref<1x632x128xf32, #tpu.memory_space<hbm>> -> memref<632x128xf32, #tpu.memory_space<hbm>>
        %dma_wait3A_75 = arith.constant 0 : i32
        %dma_wait3A_76 = tpu.memref_slice %arg22[%mul3A_2, %dma_wait3A_75] : memref<10000x128xf32, #tpu.memory_space<vmem_shared>> -> memref<632x128xf32, #tpu.memory_space<vmem_shared>>
        tpu.wait_dma2 semaphore(%run_scoped3A : memref<!tpu.dma_semaphore, #tpu.memory_space<semaphore_mem>>) src(%dma_wait3A_76 : memref<632x128xf32, #tpu.memory_space<vmem_shared>>) dst(%dma_wait3A_74 : memref<632x128xf32, #tpu.memory_space<hbm>>)
        tpu.yield
      }) : () -> ()
    } else {
    }
    %eq3A_62 = arith.constant 15 : i32
    %eq3A_63 = arith.cmpi eq, %arg1, %eq3A_62 : i32
    %convert_element_type3A_64 = arith.extui %eq3A_63 : i1 to i32
    %cond3A_65 = arith.constant 0 : i32
    %cond3A_66 = arith.cmpi ne, %convert_element_type3A_64, %cond3A_65 : i32
    scf.if %cond3A_66 {
      "tpu.region"() ({
        %run_scoped3A = tpu.sem_alloc : memref<!tpu.dma_semaphore, #tpu.memory_space<semaphore_mem>>
        %dma_start3A_67 = arith.constant 0 : i32
        %dma_start3A_68 = tpu.memref_slice %arg6[%arg0, %mul3A_2, %dma_start3A_67] : memref<2x10000x128xf32, #tpu.memory_space<hbm>> -> memref<1x520x128xf32, #tpu.memory_space<hbm>>
        %dma_start3A_69 = tpu.memref_squeeze %dma_start3A_68 : memref<1x520x128xf32, #tpu.memory_space<hbm>> -> memref<520x128xf32, #tpu.memory_space<hbm>>
        %dma_start3A_70 = arith.constant 0 : i32
        %dma_start3A_71 = tpu.memref_slice %arg22[%mul3A_2, %dma_start3A_70] : memref<10000x128xf32, #tpu.memory_space<vmem_shared>> -> memref<520x128xf32, #tpu.memory_space<vmem_shared>>
        tpu.enqueue_dma source(%dma_start3A_71 : memref<520x128xf32, #tpu.memory_space<vmem_shared>>) target(%dma_start3A_69 : memref<520x128xf32, #tpu.memory_space<hbm>>) target_semaphore(%run_scoped3A : memref<!tpu.dma_semaphore, #tpu.memory_space<semaphore_mem>>)
        %dma_wait3A_72 = arith.constant 0 : i32
        %dma_wait3A_73 = tpu.memref_slice %arg6[%arg0, %mul3A_2, %dma_wait3A_72] : memref<2x10000x128xf32, #tpu.memory_space<hbm>> -> memref<1x520x128xf32, #tpu.memory_space<hbm>>
        %dma_wait3A_74 = tpu.memref_squeeze %dma_wait3A_73 : memref<1x520x128xf32, #tpu.memory_space<hbm>> -> memref<520x128xf32, #tpu.memory_space<hbm>>
        %dma_wait3A_75 = arith.constant 0 : i32
        %dma_wait3A_76 = tpu.memref_slice %arg22[%mul3A_2, %dma_wait3A_75] : memref<10000x128xf32, #tpu.memory_space<vmem_shared>> -> memref<520x128xf32, #tpu.memory_space<vmem_shared>>
        tpu.wait_dma2 semaphore(%run_scoped3A : memref<!tpu.dma_semaphore, #tpu.memory_space<semaphore_mem>>) src(%dma_wait3A_76 : memref<520x128xf32, #tpu.memory_space<vmem_shared>>) dst(%dma_wait3A_74 : memref<520x128xf32, #tpu.memory_space<hbm>>)
        tpu.yield
      }) : () -> ()
    } else {
    }
    return
  }
}

module attributes {stable_mosaic.version = 14 : i64} {
  func.func @_tc_fwd_body(%arg0: memref<10000x128xf32, #tpu.memory_space<vmem>>, %arg1: memref<3x128xf32, #tpu.memory_space<vmem>>, %arg2: memref<3x128xf32, #tpu.memory_space<vmem>>, %arg3: memref<128x128xf32, #tpu.memory_space<vmem>>, %arg4: memref<1x128xf32, #tpu.memory_space<vmem>>, %arg5: memref<10064x128xf32, #tpu.memory_space<vmem>>, %arg6: memref<10000x128xf32, #tpu.memory_space<vmem>>) attributes {dimension_semantics = [], scalar_prefetch = 0 : i64, scratch_operands = 0 : i64, tpu.core_type = #tpu.core_type<tc>} {
    %get3A = arith.constant 0 : index
    %get3A_0 = arith.constant 0 : index
    %get3A_1 = vector.load %arg0[%get3A, %get3A_0] : memref<10000x128xf32, #tpu.memory_space<vmem>>, vector<10000x128xf32>
    %reduce_sum3A = arith.constant dense<0.000000e+00> : vector<128xf32>
    %reduce_sum3A_2 = vector.multi_reduction <add>, %get3A_1, %reduce_sum3A [0] : vector<10000x128xf32> to vector<128xf32>
    %broadcast_in_dim3A = vector.shape_cast %reduce_sum3A_2 : vector<128xf32> to vector<1x128xf32>
    %mul3A = arith.constant 9.99999974E-5 : f32
    %mul3A_3 = vector.broadcast %mul3A : f32 to vector<1x128xf32>
    %mul3A_4 = arith.mulf %broadcast_in_dim3A, %mul3A_3 : vector<1x128xf32>
    %mul3A_5 = arith.mulf %get3A_1, %get3A_1 : vector<10000x128xf32>
    %reduce_sum3A_6 = arith.constant dense<0.000000e+00> : vector<128xf32>
    %reduce_sum3A_7 = vector.multi_reduction <add>, %mul3A_5, %reduce_sum3A_6 [0] : vector<10000x128xf32> to vector<128xf32>
    %broadcast_in_dim3A_8 = vector.shape_cast %reduce_sum3A_7 : vector<128xf32> to vector<1x128xf32>
    %mul3A_9 = arith.constant 9.99999974E-5 : f32
    %mul3A_10 = vector.broadcast %mul3A_9 : f32 to vector<1x128xf32>
    %mul3A_11 = arith.mulf %broadcast_in_dim3A_8, %mul3A_10 : vector<1x128xf32>
    %mul3A_12 = arith.mulf %mul3A_4, %mul3A_4 : vector<1x128xf32>
    %sub3A = arith.subf %mul3A_11, %mul3A_12 : vector<1x128xf32>
    %sub3A_13 = vector.broadcast %mul3A_4 : vector<1x128xf32> to vector<10000x128xf32>
    %sub3A_14 = arith.subf %get3A_1, %sub3A_13 : vector<10000x128xf32>
    %add3A = arith.constant 9.99999974E-6 : f32
    %add3A_15 = vector.broadcast %add3A : f32 to vector<1x128xf32>
    %add3A_16 = arith.addf %sub3A, %add3A_15 : vector<1x128xf32>
    %sqrt3A = math.sqrt %add3A_16 : vector<1x128xf32>
    %div3A = vector.broadcast %sqrt3A : vector<1x128xf32> to vector<10000x128xf32>
    %div3A_17 = arith.divf %sub3A_14, %div3A : vector<10000x128xf32>
    %get3A_18 = arith.constant 0 : index
    %get3A_19 = arith.constant 0 : index
    %get3A_20 = vector.load %arg1[%get3A_18, %get3A_19] : memref<3x128xf32, #tpu.memory_space<vmem>>, vector<1x128xf32>
    %mul3A_21 = vector.broadcast %get3A_20 : vector<1x128xf32> to vector<10000x128xf32>
    %mul3A_22 = arith.mulf %div3A_17, %mul3A_21 : vector<10000x128xf32>
    %get3A_23 = arith.constant 0 : index
    %get3A_24 = arith.constant 0 : index
    %get3A_25 = vector.load %arg2[%get3A_23, %get3A_24] : memref<3x128xf32, #tpu.memory_space<vmem>>, vector<1x128xf32>
    %add3A_26 = vector.broadcast %get3A_25 : vector<1x128xf32> to vector<10000x128xf32>
    %add3A_27 = arith.addf %mul3A_22, %add3A_26 : vector<10000x128xf32>
    %max3A = arith.constant 0.000000e+00 : f32
    %max3A_28 = vector.broadcast %max3A : f32 to vector<10000x128xf32>
    %max3A_29 = arith.maximumf %add3A_27, %max3A_28 : vector<10000x128xf32>
    %add3A_30 = arith.addf %get3A_1, %max3A_29 : vector<10000x128xf32>
    %reduce_sum3A_31 = arith.constant dense<0.000000e+00> : vector<128xf32>
    %reduce_sum3A_32 = vector.multi_reduction <add>, %max3A_29, %reduce_sum3A_31 [0] : vector<10000x128xf32> to vector<128xf32>
    %broadcast_in_dim3A_33 = vector.shape_cast %reduce_sum3A_32 : vector<128xf32> to vector<1x128xf32>
    %mul3A_34 = arith.constant 9.99999974E-5 : f32
    %mul3A_35 = vector.broadcast %mul3A_34 : f32 to vector<1x128xf32>
    %mul3A_36 = arith.mulf %broadcast_in_dim3A_33, %mul3A_35 : vector<1x128xf32>
    %mul3A_37 = arith.mulf %max3A_29, %max3A_29 : vector<10000x128xf32>
    %reduce_sum3A_38 = arith.constant dense<0.000000e+00> : vector<128xf32>
    %reduce_sum3A_39 = vector.multi_reduction <add>, %mul3A_37, %reduce_sum3A_38 [0] : vector<10000x128xf32> to vector<128xf32>
    %broadcast_in_dim3A_40 = vector.shape_cast %reduce_sum3A_39 : vector<128xf32> to vector<1x128xf32>
    %mul3A_41 = arith.constant 9.99999974E-5 : f32
    %mul3A_42 = vector.broadcast %mul3A_41 : f32 to vector<1x128xf32>
    %mul3A_43 = arith.mulf %broadcast_in_dim3A_40, %mul3A_42 : vector<1x128xf32>
    %mul3A_44 = arith.mulf %mul3A_36, %mul3A_36 : vector<1x128xf32>
    %sub3A_45 = arith.subf %mul3A_43, %mul3A_44 : vector<1x128xf32>
    %sub3A_46 = vector.broadcast %mul3A_36 : vector<1x128xf32> to vector<10000x128xf32>
    %sub3A_47 = arith.subf %max3A_29, %sub3A_46 : vector<10000x128xf32>
    %add3A_48 = arith.constant 9.99999974E-6 : f32
    %add3A_49 = vector.broadcast %add3A_48 : f32 to vector<1x128xf32>
    %add3A_50 = arith.addf %sub3A_45, %add3A_49 : vector<1x128xf32>
    %sqrt3A_51 = math.sqrt %add3A_50 : vector<1x128xf32>
    %div3A_52 = vector.broadcast %sqrt3A_51 : vector<1x128xf32> to vector<10000x128xf32>
    %div3A_53 = arith.divf %sub3A_47, %div3A_52 : vector<10000x128xf32>
    %get3A_54 = arith.constant 1 : index
    %get3A_55 = arith.constant 0 : index
    %get3A_56 = vector.load %arg1[%get3A_54, %get3A_55] : memref<3x128xf32, #tpu.memory_space<vmem>>, vector<1x128xf32>
    %mul3A_57 = vector.broadcast %get3A_56 : vector<1x128xf32> to vector<10000x128xf32>
    %mul3A_58 = arith.mulf %div3A_53, %mul3A_57 : vector<10000x128xf32>
    %get3A_59 = arith.constant 1 : index
    %get3A_60 = arith.constant 0 : index
    %get3A_61 = vector.load %arg2[%get3A_59, %get3A_60] : memref<3x128xf32, #tpu.memory_space<vmem>>, vector<1x128xf32>
    %add3A_62 = vector.broadcast %get3A_61 : vector<1x128xf32> to vector<10000x128xf32>
    %add3A_63 = arith.addf %mul3A_58, %add3A_62 : vector<10000x128xf32>
    %max3A_64 = arith.constant 0.000000e+00 : f32
    %max3A_65 = vector.broadcast %max3A_64 : f32 to vector<10000x128xf32>
    %max3A_66 = arith.maximumf %add3A_63, %max3A_65 : vector<10000x128xf32>
    %add3A_67 = arith.addf %add3A_30, %max3A_66 : vector<10000x128xf32>
    %reduce_sum3A_68 = arith.constant dense<0.000000e+00> : vector<128xf32>
    %reduce_sum3A_69 = vector.multi_reduction <add>, %max3A_66, %reduce_sum3A_68 [0] : vector<10000x128xf32> to vector<128xf32>
    %broadcast_in_dim3A_70 = vector.shape_cast %reduce_sum3A_69 : vector<128xf32> to vector<1x128xf32>
    %mul3A_71 = arith.constant 9.99999974E-5 : f32
    %mul3A_72 = vector.broadcast %mul3A_71 : f32 to vector<1x128xf32>
    %mul3A_73 = arith.mulf %broadcast_in_dim3A_70, %mul3A_72 : vector<1x128xf32>
    %mul3A_74 = arith.mulf %max3A_66, %max3A_66 : vector<10000x128xf32>
    %reduce_sum3A_75 = arith.constant dense<0.000000e+00> : vector<128xf32>
    %reduce_sum3A_76 = vector.multi_reduction <add>, %mul3A_74, %reduce_sum3A_75 [0] : vector<10000x128xf32> to vector<128xf32>
    %broadcast_in_dim3A_77 = vector.shape_cast %reduce_sum3A_76 : vector<128xf32> to vector<1x128xf32>
    %mul3A_78 = arith.constant 9.99999974E-5 : f32
    %mul3A_79 = vector.broadcast %mul3A_78 : f32 to vector<1x128xf32>
    %mul3A_80 = arith.mulf %broadcast_in_dim3A_77, %mul3A_79 : vector<1x128xf32>
    %mul3A_81 = arith.mulf %mul3A_73, %mul3A_73 : vector<1x128xf32>
    %sub3A_82 = arith.subf %mul3A_80, %mul3A_81 : vector<1x128xf32>
    %sub3A_83 = vector.broadcast %mul3A_73 : vector<1x128xf32> to vector<10000x128xf32>
    %sub3A_84 = arith.subf %max3A_66, %sub3A_83 : vector<10000x128xf32>
    %add3A_85 = arith.constant 9.99999974E-6 : f32
    %add3A_86 = vector.broadcast %add3A_85 : f32 to vector<1x128xf32>
    %add3A_87 = arith.addf %sub3A_82, %add3A_86 : vector<1x128xf32>
    %sqrt3A_88 = math.sqrt %add3A_87 : vector<1x128xf32>
    %div3A_89 = vector.broadcast %sqrt3A_88 : vector<1x128xf32> to vector<10000x128xf32>
    %div3A_90 = arith.divf %sub3A_84, %div3A_89 : vector<10000x128xf32>
    %get3A_91 = arith.constant 2 : index
    %get3A_92 = arith.constant 0 : index
    %get3A_93 = vector.load %arg1[%get3A_91, %get3A_92] : memref<3x128xf32, #tpu.memory_space<vmem>>, vector<1x128xf32>
    %mul3A_94 = vector.broadcast %get3A_93 : vector<1x128xf32> to vector<10000x128xf32>
    %mul3A_95 = arith.mulf %div3A_90, %mul3A_94 : vector<10000x128xf32>
    %get3A_96 = arith.constant 2 : index
    %get3A_97 = arith.constant 0 : index
    %get3A_98 = vector.load %arg2[%get3A_96, %get3A_97] : memref<3x128xf32, #tpu.memory_space<vmem>>, vector<1x128xf32>
    %add3A_99 = vector.broadcast %get3A_98 : vector<1x128xf32> to vector<10000x128xf32>
    %add3A_100 = arith.addf %mul3A_95, %add3A_99 : vector<10000x128xf32>
    %max3A_101 = arith.constant 0.000000e+00 : f32
    %max3A_102 = vector.broadcast %max3A_101 : f32 to vector<10000x128xf32>
    %max3A_103 = arith.maximumf %add3A_100, %max3A_102 : vector<10000x128xf32>
    %swap3A = arith.constant 0 : index
    %swap3A_104 = arith.constant 0 : index
    %swap3A_105 = vector.load %arg5[%swap3A, %swap3A_104] : memref<10064x128xf32, #tpu.memory_space<vmem>>, vector<10000x128xf32>
    tpu.vector_store %arg5[%swap3A, %swap3A_104], %add3A_67 {strides = array<i32>} : memref<10064x128xf32, #tpu.memory_space<vmem>>, vector<10000x128xf32>,
    %broadcast_in_dim3A_106 = arith.constant 0.000000e+00 : f32
    %broadcast_in_dim3A_107 = vector.broadcast %broadcast_in_dim3A_106 : f32 to vector<64x128xf32>
    %swap3A_108 = arith.constant 10000 : index
    %swap3A_109 = arith.constant 0 : index
    %swap3A_110 = vector.load %arg5[%swap3A_108, %swap3A_109] : memref<10064x128xf32, #tpu.memory_space<vmem>>, vector<64x128xf32>
    tpu.vector_store %arg5[%swap3A_108, %swap3A_109], %broadcast_in_dim3A_107 {strides = array<i32>} : memref<10064x128xf32, #tpu.memory_space<vmem>>, vector<64x128xf32>,
    %get3A_111 = arith.constant 0 : index
    %get3A_112 = arith.constant 0 : index
    %get3A_113 = vector.load %arg3[%get3A_111, %get3A_112] : memref<128x128xf32, #tpu.memory_space<vmem>>, vector<128x128xf32>
    %dot_general3A = arith.constant dense<0.000000e+00> : vector<10000x128xf32>
    %dot_general3A_114 = tpu.matmul %max3A_103, %get3A_113, %dot_general3A {dimension_numbers = #tpu.dot_dimension_numbers<[1], [0], [0], [1], [0, 0, 1, 1], [], []>, transpose_lhs_hint = false} : vector<10000x128xf32>, vector<128x128xf32>, vector<10000x128xf32> -> vector<10000x128xf32>
    %get3A_115 = arith.constant 0 : index
    %get3A_116 = arith.constant 0 : index
    %get3A_117 = vector.load %arg4[%get3A_115, %get3A_116] : memref<1x128xf32, #tpu.memory_space<vmem>>, vector<1x128xf32>
    %add3A_118 = vector.broadcast %get3A_117 : vector<1x128xf32> to vector<10000x128xf32>
    %add3A_119 = arith.addf %dot_general3A_114, %add3A_118 : vector<10000x128xf32>
    %swap3A_120 = arith.constant 0 : index
    %swap3A_121 = arith.constant 0 : index
    %swap3A_122 = vector.load %arg6[%swap3A_120, %swap3A_121] : memref<10000x128xf32, #tpu.memory_space<vmem>>, vector<10000x128xf32>
    tpu.vector_store %arg6[%swap3A_120, %swap3A_121], %add3A_119 {strides = array<i32>} : memref<10000x128xf32, #tpu.memory_space<vmem>>, vector<10000x128xf32>,
    return
  }
}

module attributes {stable_mosaic.version = 14 : i64} {
  func.func @_tc_out_body(%arg0: memref<10000x128xf32, #tpu.memory_space<vmem>>, %arg1: memref<2x10000x128xf32, #tpu.memory_space<vmem>>, %arg2: memref<10000x128xf32, #tpu.memory_space<vmem>>) attributes {dimension_semantics = [], scalar_prefetch = 0 : i64, scratch_operands = 0 : i64, tpu.core_type = #tpu.core_type<tc>} {
    %get3A = arith.constant 0 : index
    %get3A_0 = arith.constant 0 : index
    %get3A_1 = vector.load %arg0[%get3A, %get3A_0] : memref<10000x128xf32, #tpu.memory_space<vmem>>, vector<10000x128xf32>
    %get3A_2 = arith.constant 0 : index
    %get3A_3 = arith.constant 0 : index
    %get3A_4 = arith.constant 0 : index
    %get3A_5 = vector.load %arg1[%get3A_2, %get3A_3, %get3A_4] : memref<2x10000x128xf32, #tpu.memory_space<vmem>>, vector<1x10000x128xf32>
    %get3A_6 = vector.shape_cast %get3A_5 : vector<1x10000x128xf32> to vector<10000x128xf32>
    %get3A_7 = arith.constant 1 : index
    %get3A_8 = arith.constant 0 : index
    %get3A_9 = arith.constant 0 : index
    %get3A_10 = vector.load %arg1[%get3A_7, %get3A_8, %get3A_9] : memref<2x10000x128xf32, #tpu.memory_space<vmem>>, vector<1x10000x128xf32>
    %get3A_11 = vector.shape_cast %get3A_10 : vector<1x10000x128xf32> to vector<10000x128xf32>
    %add3A = arith.addf %get3A_6, %get3A_11 : vector<10000x128xf32>
    %mul3A = arith.constant 0.000000e+00 : f32
    %mul3A_12 = vector.broadcast %mul3A : f32 to vector<10000x128xf32>
    %mul3A_13 = arith.mulf %mul3A_12, %add3A : vector<10000x128xf32>
    %add3A_14 = arith.addf %get3A_1, %mul3A_13 : vector<10000x128xf32>
    %swap3A = arith.constant 0 : index
    %swap3A_15 = arith.constant 0 : index
    %swap3A_16 = vector.load %arg2[%swap3A, %swap3A_15] : memref<10000x128xf32, #tpu.memory_space<vmem>>, vector<10000x128xf32>
    tpu.vector_store %arg2[%swap3A, %swap3A_15], %add3A_14 {strides = array<i32>} : memref<10000x128xf32, #tpu.memory_space<vmem>>, vector<10000x128xf32>,
    return
  }
}

</mosaic_0001>

<sc_bundles>
// kernel: kernel.5.cloned.1.call-start
scs
__scs_entry_jumppad:
0x0: {  	(pc) =	sbr.rel $0x88, $3  }
0x1: {  	(tag) =	ssettag $0x0;
	lr =	simm.s32 $0x1  }
0x2: {  	[smem:$0x3F9B] =	sst lr;
	_ =	strace $0xD0000000  }
0x3: {  	_ = 	snop  }
0x4: {  	_ = 	snop  }
0x5: {  	_ = 	snop  }
0x6: {  	_ = 	snop  }
0x7: {  	_ = 	snop  }
__scs_overlays_trampoline_lowered:
0x8: {  	[smem:$0x3FAA] =	sst s0  }
0x9: {  	[smem:$0x3FAB] =	sst s1  }
0xa: {  	[smem:$0x3FAC] =	sst s2  }
0xb: {  	[smem:$0x3FAD] =	sst s3  }
0xc: {  	[smem:$0x3FAE] =	sst s4  }
0xd: {  	[smem:$0x3FAF] =	sst s5  }
0xe: {  	[smem:$0x3FB0] =	sst s6  }
0xf: {  	[smem:$0x3FB1] =	sst s7  }
0x10: {  	[smem:$0x3FB2] =	sst s8  }
0x11: {  	[smem:$0x3FB3] =	sst s9;
	s0 =	simm.s32 @!p0 $0x0  }
0x12: {  	s1 =	sld [smem:$0x3F99];
	s0 =	simm.s32 @p0 $0x1  }
0x13: {  	[smem:$0x3FB4] =	sst s0;
	s0 =	simm.s32 @!p1 $0x0  }
0x14: {  	s2 =	sld [smem:$0x3F98];
	s0 =	simm.s32 @p1 $0x1  }
0x15: {  	[smem:$0x3FB5] =	sst s0;
	s0 =	simm.s32 @!p2 $0x0  }
0x16: {  	s3 =	sld [smem:$0x3FDB];
	s0 =	simm.s32 @p2 $0x1  }
0x17: {  	s4 =	simm.s32 $0x1BF5;
	[smem:$0x3FB7] =	sst s0  }
0x18: {  	s0 =	sld [smem:$0x3F9A];
	_ =	swait.ge [sflag:s4], $0x0  }
0x19: {  	s7 =	sld [smem:$0x3F9B]  }
0x1a: {  	s8 =	sadd.s32 $0xFFFFE003, lr  }
0x1b: {  	s9 =	sadd.s32 $0xFFFFFEF7, lr;
	s5 =	simm.s32 $0xFFFFFFFF;
	p2 =	slt.u32 s8, $0xFFFFF086  }
0x1c: {  	p1 =	slt.u32 s9, $0xF7A;
	s5 =	simm.s32 @!p2 $0x0  }
0x1d: {  	s5 =	simm.s32 @p1 $0x1;
	p0 =	seq.s32 s7, s2  }
0x1e: {  	s7 =	smul.u32 @!p0 $0xF7A, s2;
	p2 =	seq.s32 @!p0 s5, $0x0  }
0x1f: {  	s9 =	smul.u32 $0xF7A, s1;
	s8 =	simm.s32 @!p0 $0x1BF5;
	p2 =	por !p2, p0  }
0x20: {  	[sflag:s8] =	ssyncset.s32 @!p0 $0xFFFFF086;
	s6 =	sadd.s32 @!p0 s3, s7;
	s7 =	simm.s32 @!p0 $0x108  }
0x21: {  	s3 =	sadd.s32 s3, s9;
	s6 =	sadd.s32 @!p0 $0x88, s6;
	s7 =	simm.s32 @p2 $0x1082  }
0x22: {  	[simem:s7], [sflag:s8] =	dma.local @!p0 [hbm:s6], $0xF7A  }
0x23: {  	s9 =	sor.u32 $0xD0000000, s2;
	s6 =	simm.s32 $0x108;
	_ =	swait.ge @!p0 [sflag:s8], $0x0  }
0x24: {  	s3 =	sadd.s32 $0x88, s3;
	s6 =	simm.s32 @!p1 $0x1082;
	[sflag:s4] =	ssyncset.s32 $0xFFFFF086  }
0x25: {  	[simem:s6], [sflag:s4] =	dma.local [hbm:s3], $0xF7A  }
0x26: {  	[smem:$0x3F9B] =	sst s1;
	(tag) =	ssettag s2;
	_ =	strace s9  }
0x27: {  	s1 =	sld [smem:$0x3FAB]  }
0x28: {  	s2 =	sld [smem:$0x3FAC]  }
0x29: {  	s4 =	sld [smem:$0x3FAE]  }
0x2a: {  	p0 =	seq.s32 s5, $0x0;
	s5 =	sld [smem:$0x3FAF]  }
0x2b: {  	s6 =	sld [smem:$0x3FB0]  }
0x2c: {  	s7 =	sld [smem:$0x3FB1]  }
0x2d: {  	s3 =	simm.s32 $0x108;
	s8 =	sld [smem:$0x3FB2]  }
0x2e: {  	s3 =	simm.s32 @!p0 $0x1082;
	s9 =	sld [smem:$0x3FB3]  }
0x2f: {  	lr =	sadd.s32 s0, s3;
	s0 =	sld [smem:$0x3FAA]  }
0x30: {  	s3 =	sld [smem:$0x3FAD]  }
0x31: {  	[smem:$0x3FB6] =	sst s10  }
0x32: {  	s10 =	sld [smem:$0x3FB4];
	_ =	sdelay $0x3  }
0x33: {  	p0 =	seq.s32 s10, $0x1;
	s10 =	sld [smem:$0x3FB6];
	_ =	sdelay $0x3  }
0x34: {  	[smem:$0x3FB6] =	sst s10  }
0x35: {  	s10 =	sld [smem:$0x3FB5];
	_ =	sdelay $0x3  }
0x36: {  	p1 =	seq.s32 s10, $0x1;
	s10 =	sld [smem:$0x3FB6];
	_ =	sdelay $0x3  }
0x37: {  	[smem:$0x3FB6] =	sst s10  }
0x38: {  	s10 =	sld [smem:$0x3FB7]  }
0x39: {  	_ = 	snop;
	(pc) =	sbr.ind lr, $3  }
0x3a: {  	_ = 	snop  }
0x3b: {  	_ = 	snop  }
0x3c: {  	p2 =	seq.s32 s10, $0x1;
	s10 =	sld [smem:$0x3FB6]  }
0x3d: {  	_ =	shalt  }
0x3e: {  	_ =	shalt  }
0x3f: {  	_ =	shalt  }
0x40: {  	_ =	shalt  }
0x41: {  	_ =	shalt  }
0x42: {  	_ =	shalt  }
0x43: {  	_ =	shalt  }
0x44: {  	_ =	shalt  }
0x45: {  	_ =	shalt  }
0x46: {  	_ =	shalt  }
0x47: {  	_ =	shalt  }
0x48: {  	_ =	shalt  }
0x49: {  	_ =	shalt  }
0x4a: {  	_ =	shalt  }
0x4b: {  	_ =	shalt  }
0x4c: {  	_ =	shalt  }
0x4d: {  	_ =	shalt  }
0x4e: {  	_ =	shalt  }
0x4f: {  	_ =	shalt  }
0x50: {  	_ =	shalt  }
0x51: {  	_ =	shalt  }
0x52: {  	_ =	shalt  }
0x53: {  	_ =	shalt  }
0x54: {  	_ =	shalt  }
0x55: {  	_ =	shalt  }
0x56: {  	_ =	shalt  }
0x57: {  	_ =	shalt  }
0x58: {  	_ =	shalt  }
0x59: {  	_ =	shalt  }
0x5a: {  	_ =	shalt  }
0x5b: {  	_ =	shalt  }
0x5c: {  	_ =	shalt  }
0x5d: {  	_ =	shalt  }
0x5e: {  	_ =	shalt  }
0x5f: {  	_ =	shalt  }
0x60: {  	_ =	shalt  }
0x61: {  	_ =	shalt  }
0x62: {  	_ =	shalt  }
0x63: {  	_ =	shalt  }
0x64: {  	_ =	shalt  }
0x65: {  	_ =	shalt  }
0x66: {  	_ =	shalt  }
0x67: {  	_ =	shalt  }
0x68: {  	_ =	shalt  }
0x69: {  	_ =	shalt  }
0x6a: {  	_ =	shalt  }
0x6b: {  	_ =	shalt  }
0x6c: {  	_ =	shalt  }
0x6d: {  	_ =	shalt  }
0x6e: {  	_ =	shalt  }
0x6f: {  	_ =	shalt  }
0x70: {  	_ =	shalt  }
0x71: {  	_ =	shalt  }
0x72: {  	_ =	shalt  }
0x73: {  	_ =	shalt  }
0x74: {  	_ =	shalt  }
0x75: {  	_ =	shalt  }
0x76: {  	_ =	shalt  }
0x77: {  	_ =	shalt  }
0x78: {  	_ =	shalt  }
0x79: {  	_ =	shalt  }
0x7a: {  	_ =	shalt  }
0x7b: {  	_ =	shalt  }
0x7c: {  	_ =	shalt  }
0x7d: {  	_ =	shalt  }
0x7e: {  	_ =	shalt  }
0x7f: {  	_ =	shalt  }
0x80: {  	_ =	shalt  }
0x81: {  	_ =	shalt  }
0x82: {  	_ =	shalt  }
0x83: {  	_ =	shalt  }
0x84: {  	_ =	shalt  }
0x85: {  	_ =	shalt  }
0x86: {  	_ =	shalt  }
0x87: {  	_ =	shalt  }
.Lfunc_end0:
.L_simem_size_0:
called_computation_lowered:
.L_overlay_start_0:
0x88: {  	s2 =	sld [smem:$0x3FD9]  }
0x89: {  	s3 =	sld [smem:$0x3FFE];
	_ =	sdelay $0x1  }
0x8a: {  	s1 =	srdreg.scid  }
0x8b: {  	s0 =	sand.u32 $0x1, s1  }
0x8c: {  	s17 =	sshll.u32 s0, $0xA;
	s2 =	sadd.s32 s3, s2  }
0x8d: {  	s2 =	sadd.s32 s2, s17  }
0x8e: {  	[smem:$0x3FC2] =	sst s2  }
0x8f: {  	_ = 	snop  }
0x90: {  	s2 =	sld [smem:$0x3FD0];
	(tm) =	ssettm $0x1  }
0x91: {  	s18 =	sld [smem:$0x3FFB];
	_ =	sdelay $0x3  }
0x92: {  	_ =	strace s18  }
0x93: {  	s3 =	sld [smem:$0x3FFC];
	_ =	sdelay $0x3  }
0x94: {  	_ =	strace s3  }
0x95: {  	s3 =	sld [smem:$0x3FFD];
	_ =	sdelay $0x3  }
0x96: {  	_ =	strace s3  }
0x97: {  	_ =	strace $0x8FFFFFFF  }
0x98: {  	s19 =	sld [smem:$0x3FDB];
	_ =	sdelay $0x1  }
0x99: {  	s4 =	simm.s32 $_scs_section_size  }
0x9a: {  	s5 =	simm.s32 $_size__tile_overlayer_lowered;
	s6 =	simm.s32 $_tile_overlayer_lowered  }
0x9b: {  	s22 =	simm.s32 $0x1BFF;
	s21 =	sshll.u32 s6, $0x1;
	s3 =	sadd.s32 s4, s19  }
0x9c: {  	s7 =	simm.s32 $0x0;
	s20 =	sshll.u32 s5, $0x1;
	s5 =	sadd.s32 s21, s3  }
0x9d: {  	[timem:s7], [sflag:s22] =	dma.local [hbm:s5], s20  }
0x9e: {  	_ =	swait.ge [sflag:s22], s20  }
0x9f: {  	s4 =	ssub.s32 $0x0, s20;
	[sflag:s22] =	ssyncset.done $0x0  }
0xa0: {  	[sflag:s22] =	ssyncadd.s32 s4;
	_ =	sdelay $0x1  }
0xa1: {  	s23 =	simm.s32 $0x1B8B  }
0xa2: {  	_ =	swait.ge [sflag:s23], $0x1  }
0xa3: {  	[sflag:s23] =	ssyncset.done $0x0  }
0xa4: {  	s25 =	simm.s32 $0x1B8E;
	s24 =	sld [smem:$0x3FFE];
	[sflag:s23] =	ssyncadd.s32 $0xFFFFFFFF  }
0xa5: {  	s26 =	simm.s32 $execute0_lowered;
	[smem:$0x3FD2] =	sst s25  }
0xa6: {  	s5 =	sshll.u32 s26, $0x1;
	_ =	strace $0x80000046;
	[dreg:$0x1] =	wrdreg $0xFFFFFFFF  }
0xa7: {  	s28 =	simm.s32 $_size_execute0_lowered;
	s3 =	sadd.s32 s3, s5;
	[dreg:$0x0] =	wrdreg $0x0  }
0xa8: {  	s5 =	sshll.u32 s28, $0x1;
	[dreg:$0x2] =	wrdreg s3  }
0xa9: {  	[dreg:$0x3] =	wrdreg s5  }
0xaa: {  	[dreg:$0x4] =	wrdreg $0xC0  }
0xab: {  	_ =	task [dreg:s7], $0x5FFFF  }
0xac: {  	[dreg:$0x1] =	wrdreg $0xFFFFFFFF  }
0xad: {  	[dreg:$0x0] =	wrdreg $0x60  }
0xae: {  	[dreg:$0x2] =	wrdreg s24  }
0xaf: {  	[dreg:$0x3] =	wrdreg s2  }
0xb0: {  	[dreg:$0x4] =	wrdreg $0xAE000  }
0xb1: {  	[dreg:$0x5] =	wrdreg $0x9  }
0xb2: {  	_ =	task.clear_ibuf [dreg:s7], $0x6FFFF;
	_ =	strace $0x90000046  }
0xb3: {  	s29 =	simm.s32 $0x9;
	_ =	strace $0x80000048  }
0xb4: {  	_ =	swait.ge [sflag:s29], $0x1  }
0xb5: {  	[sflag:s29] =	ssyncadd.s32 $0xFFFFFFFF  }
0xb6: {  	_ =	strace $0x90000048  }
0xb7: {  	_ =	sfence  }
0xb8: {  	s30 =	sld [smem:$0x0];
	_ =	sdelay $0x2  }
0xb9: {  	s31 =	sshll.u32 s1, $0xD;
	s1 =	sshrl.u32 s1, $0x2  }
0xba: {  	s3 =	sand.u32 $0x4000, s31;
	s1 =	sadd.s32 s1, s30  }
0xbb: {  	s0 =	sor.u32 s3, s0;
	s1 =	sshll.u32 s1, $0x11  }
0xbc: {  	s0 =	sor.u32 s1, s0  }
0xbd: {  	s0 =	sadd.s32 $0x8F2B, s0  }
0xbe: {  	[sflag:s0] =	ssyncadd.remote.s32 $0x1  }
0xbf: {  	_ =	sfence.sel $0xFFFF  }
0xc0: {  	[dreg:$0x0] =	wrdreg $0xFFFFFFFF;
	(pc) =	sbr.abs _section_cstart, $3  }
0xc1: {  	[dreg:$0x1] =	wrdreg $0xFFFFFFFF  }
0xc2: {  	_ =	task.clear_ibuf [dreg:s7], $0x2FFFF;
	_ =	strace $0x9FFFFFFF  }
0xc3: {  	(tm) =	ssettm $0x7FFFFFFF  }
tec
execute0_lowered:
.L_overlay_start_1:
0x0: {  	(tag) =	ssettag $0x1  }
0x1: {  	s0 =	rddreg [dreg:$0x0]  }
0x2: {  	s3 =	rddreg [dreg:$0x1]  }
0x3: {  	s1 =	rddreg [dreg:$0x2];
	s2 =	simm.s32 $0x0  }
0x4: {  	s7 =	srdreg.scid;
	s14 =	stileid.u32;
	s28 =	simm.s32 $0x1  }
0x5: {  	s29 =	simm.s32 $0x70;
	s30 =	simm.s32 $0x600;
	[smem:$0x7FF] =	sst s2  }
0x6: {  	s4 =	sadd.s32 $0x14A00, s0;
	s5 =	sadd.s32 $0xE00, s0;
	s9 =	smul.u32 $0x4F000, s14  }
0x7: {  	s6 =	sadd.s32 $0xAC00, s0;
	s7 =	sand.u32 $0x1, s7;
	s11 =	smul.u32 $0x2780, s14  }
0x8: {  	s8 =	sshll.u32 s14, $0x1;
	s0 =	sadd.s32 $0x3C000, s0;
	s19 =	smul.u32 $0x13C00, s14  }
0x9: {  	s31 =	sadd.s32 $0x128400, s1;
	s23 =	smul.u32 $0x9D8, s14;
	p0 =	seq.s32 s14, $0xF  }
0xa: {  	_ =	strace $0x80000047;
	s10 =	ssub.s32 $0x2, s7;
	s17 =	smul.u32 $0x138800, s7  }
0xb: {  	s8 =	sor.u32 s7, s8;
	[dreg:$0x6] =	wrdreg s31;
	s7 =	smul.u32 $0x4EC, s7  }
0xc: {  	s12 =	sshrl.u32 s10, $0x1;
	s13 =	smul.u32 $0x4EC, s8;
	s9 =	sshrl.u32 s9, $0x2  }
0xd: {  	s8 =	smul.u32 $0x2760, s8;
	s26 =	sadd.s32 s3, s11;
	s3 =	sadd.s32 $0x25080, s3  }
0xe: {  	s25 =	sadd.s32 s23, s6;
	s31 =	sadd.s32 s23, s5;
	[dreg:$0x5] =	wrdreg s26  }
0xf: {  	s10 =	ssub.s32 s10, s12;
	s9 =	sadd.s32 s9, s1;
	[dreg:$0x7] =	wrdreg s3  }
0x10: {  	s21 =	sadd.s32 s19, s17;
	s22 =	sshrl.u32 s17, $0x3;
	s19 =	sadd.s32 s7, s31  }
0x11: {  	s17 =	simm.s32 $0xC;
	[dreg:$0x4] =	wrdreg s9;
	s11 =	sadd.s32 s6, s13  }
0x12: {  	s12 =	sshrl.u32 s8, $0x3;
	s15 =	sadd.s32 s5, s13;
	s26 =	smax.u32 s10, $0x1  }
0x13: {  	s9 =	simm.s32 $0x3;
	s13 =	simm.s32 $0x4;
	[dreg:$0x8] =	wrdreg s11  }
0x14: {  	[dreg:$0x9] =	wrdreg s15;
	s16 =	sadd.s32 $0xE, s12;
	s3 =	sadd.s32 $0x1C, s12  }
0x15: {  	[dreg:$0x10] =	wrdreg s26;
	s12 =	simm.s32 $0x500;
	s18 =	sadd.s32 s6, s16  }
0x16: {  	s11 =	simm.s32 $0x8;
	s8 =	sadd.s32 s5, s16;
	[dreg:$0xa] =	wrdreg s18  }
0x17: {  	s20 =	sadd.s32 s6, s3;
	s3 =	sadd.s32 s5, s3;
	[dreg:$0xb] =	wrdreg s8  }
0x18: {  	s5 =	simm.s32 $0x3E00;
	s6 =	simm.s32 $0x7;
	[dreg:$0xc] =	wrdreg s20  }
0x19: {  	s16 =	simm.s32 $0x5;
	[dreg:$0xd] =	wrdreg s3;
	s3 =	sshrl.u32 s21, $0x3  }
0x1a: {  	s8 =	sadd.s32 s0, s22;
	s18 =	sadd.s32 s7, s25;
	s0 =	sadd.s32 s0, s3  }
0x1b: {  	s20 =	simm.s32 $0x6;
	s24 =	sadd.s32 $0x25080, s8;
	[dreg:$0xe] =	wrdreg s0  }
0x1c: {  	s7 =	simm.s32 $0x0;
	s3 =	simm.s32 $0x2;
	[dreg:$0xf] =	wrdreg s24  }
.LBB2_1:
0x1d: {  	[dreg:$0x11] =	wrdreg s7  }
0x1e: {  	s0 =	rddreg [dreg:$0x6]  }
0x1f: {  	s7 =	sshrl.u32 @p0 s0, $0x3;
	s0 =	rddreg [dreg:$0x7]  }
0x20: {  	s8 =	simm.s32 @p0 $0x1FCD;
	[dreg:$0x12] =	wrdreg s7  }
0x21: {  	[spmem:s7], [sflag:s8] =	dma.local @p0 [hbm:s0], $0x2080  }
0x22: {  	s8 =	simm.s32 @p0 $0xD;
	s0 =	stileid.u32  }
0x23: {  	_ =	swait.ge @p0 [sflag:s8], $0x2080;
	s21 =	sshll.u32 @!p0 s0, $0x6  }
0x24: {  	[sflag:s8] =	ssyncset.done @p0 $0x0;
	s7 =	sor.u32 @!p0 $0x1C0D, s21;
	s0 =	rddreg [dreg:$0x4]  }
0x25: {  	[sflag:s8] =	ssyncadd.s32 @p0 $0xFFFFDF80;
	s8 =	sshrl.u32 @!p0 s0, $0x3;
	s0 =	rddreg [dreg:$0x5]  }
0x26: {  	[dreg:$0x13] =	wrdreg s7  }
0x27: {  	[dreg:$0x14] =	wrdreg s8  }
0x28: {  	[spmem:s8], [sflag:s7] =	dma.local @!p0 [hbm:s0], $0x2780  }
0x29: {  	s8 =	simm.s32 @!p0 $0xD  }
0x2a: {  	_ =	swait.ge @!p0 [sflag:s8], $0x2780  }
0x2b: {  	[sflag:s8] =	ssyncset.done @!p0 $0x0  }
0x2c: {  	s22 =	rddreg [dreg:$0x8];
	[sflag:s8] =	ssyncadd.s32 @!p0 $0xFFFFD880  }
0x2d: {  	[tilespmem:s2], [sflag:$0x1] =	stream.linear.gather [hbm4b:s22+s2], $0x70, $0x38;
	[tilespmem:$0x1E680] =	vst v63  }
0x2e: {  	s25 =	simm.s32 $0x300;
	s23 =	rddreg [dreg:$0x9]  }
0x2f: {  	[tilespmem:s25], [sflag:$0x1] =	stream.linear.gather [hbm4b:s23+s2], $0x70, $0x38;
	[tilespmem:$0x1E680] =	vst v63  }
0x30: {  	s26 =	simm.s32 $0x80;
	s24 =	rddreg [dreg:$0xa]  }
0x31: {  	[tilespmem:s26], [sflag:$0x2] =	stream.linear.gather [hbm4b:s24+s2], $0x70, $0x38;
	[tilespmem:$0x1E680] =	vst v63  }
0x32: {  	s15 =	simm.s32 $0x380;
	s31 =	rddreg [dreg:$0xb]  }
0x33: {  	[tilespmem:s15], [sflag:$0x2] =	stream.linear.gather [hbm4b:s31+s2], $0x70, $0x38;
	[tilespmem:$0x1E680] =	vst v63  }
0x34: {  	s7 =	rddreg [dreg:$0xc];
	s31 =	simm.s32 $0x100  }
0x35: {  	[tilespmem:s31], [sflag:$0x3] =	stream.linear.gather [hbm4b:s7+s2], $0x70, $0x38;
	[tilespmem:$0x1E680] =	vst v63  }
0x36: {  	s10 =	simm.s32 $0x400;
	p1 =	por $0x1, $0x1;
	s8 =	rddreg [dreg:$0xd]  }
0x37: {  	[tilespmem:s10], [sflag:$0x3] =	stream.linear.gather [hbm4b:s8+s2], $0x70, $0x38;
	[tilespmem:$0x1E680] =	vst v63  }
0x38: {  	s8 =	simm.s32 @!p1 $0xA;
	[bflag:$0x0] =	sbarrier.arrive $0xFFFF  }
0x39: {  	s21 =	sadd.s32 $0x0, s18;
	_ =	swait.ge @!p1 [sflag:s8], $0x3800  }
0x3a: {  	s14 =	sadd.s32 $0x2A, s21;
	[sflag:s8] =	ssyncset.done @!p1 $0x0  }
0x3b: {  	s0 =	simm.s32 $0x180;
	s22 =	sadd.s32 $0x0, s19;
	[sflag:s8] =	ssyncadd.s32 @!p1 $0xFFFFC800  }
0x3c: {  	[tilespmem:s0], [sflag:$0x4] =	stream.linear.gather [hbm4b:s14+s2], $0x70, $0x38;
	[tilespmem:$0x1E680] =	vst v63  }
0x3d: {  	s23 =	sadd.s32 $0x2A, s22;
	s7 =	simm.s32 $0x480  }
0x3e: {  	[tilespmem:s7], [sflag:$0x4] =	stream.linear.gather [hbm4b:s23+s2], $0x70, $0x38;
	[tilespmem:$0x1E680] =	vst v63  }
0x3f: {  	_ =	swait.ge [sflag:s28], $0x70  }
0x40: {  	[sflag:s28] =	ssyncset.done $0x0  }
0x41: {  	[sflag:s28] =	ssyncadd.s32 $0xFFFFFF90  }
0x42: {  	_ =	swait.ge [sflag:s28], $0x70  }
0x43: {  	[sflag:s28] =	ssyncset.done $0x0  }
0x44: {  	s8 =	simm.s32 @!p1 $0x9;
	[sflag:s28] =	ssyncadd.s32 $0xFFFFFF90  }
0x45: {  	[tilespmem:s30], [sflag:$0x7] =	stream.indirect.gather [hbm4b:s4+s29], $0x80, s2, s29, $0xb8;
	[tilespmem:$0x1E680] =	vst v63  }
0x46: {  	_ =	swait.ge @!p1 [sflag:s8], $0x3800  }
0x47: {  	s24 =	simm.s32 @!p1 $0x580;
	[sflag:s8] =	ssyncset.done @!p1 $0x0  }
0x48: {  	s23 =	simm.s32 @!p1 $0x7600;
	[sflag:s8] =	ssyncadd.s32 @!p1 $0xFFFFC800;
	s8 =	simm.s32 @!p1 $0x70  }
0x49: {  	[spmem:s1] =	stream.indirect.scatter.add.f32 @!p1 [tilespmem:s23], [sflag:$0xC], $0x80, s24, s8, $0xb8;
	[tilespmem:$0x1E680] =	vst v63  }
0x4a: {  	s8 =	simm.s32 @!p1 $0xB  }
0x4b: {  	_ =	swait.ge @!p1 [sflag:s8], $0x3800  }
0x4c: {  	[sflag:s8] =	ssyncset.done @!p1 $0x0  }
0x4d: {  	s10 =	simm.s32 $0x200;
	s24 =	sadd.s32 $0x38, s21;
	[sflag:s8] =	ssyncadd.s32 @!p1 $0xFFFFC800  }
0x4e: {  	[tilespmem:s10], [sflag:$0x5] =	stream.linear.gather [hbm4b:s24+s2], $0x70, $0x38;
	[tilespmem:$0x1E680] =	vst v63  }
0x4f: {  	s14 =	sadd.s32 $0x38, s22  }
0x50: {  	[tilespmem:s12], [sflag:$0x5] =	stream.linear.gather [hbm4b:s14+s2], $0x70, $0x38;
	[tilespmem:$0x1E680] =	vst v63  }
0x51: {  	_ =	swait.ge [sflag:s3], $0x70  }
0x52: {  	[sflag:s3] =	ssyncset.done $0x0  }
0x53: {  	[sflag:s3] =	ssyncadd.s32 $0xFFFFFF90  }
0x54: {  	_ =	swait.ge [sflag:s3], $0x70  }
0x55: {  	[sflag:s3] =	ssyncset.done $0x0  }
0x56: {  	[sflag:s3] =	ssyncadd.s32 $0xFFFFFF90  }
0x57: {  	[tilespmem:s5], [sflag:$0x8] =	stream.indirect.gather [hbm4b:s4+s29], $0x80, s26, s29, $0xb8;
	[tilespmem:$0x1E680] =	vst v63  }
0x58: {  	_ =	swait.ge [sflag:s6], $0x3800  }
0x59: {  	[sflag:s6] =	ssyncset.done $0x0  }
0x5a: {  	s8 =	simm.s32 @!p1 $0xC;
	[sflag:s6] =	ssyncadd.s32 $0xFFFFC800  }
0x5b: {  	[spmem:s1] =	stream.indirect.scatter.add.f32 [tilespmem:s30], [sflag:$0xA], $0x80, s25, s29, $0xb8;
	[tilespmem:$0x1E680] =	vst v63  }
0x5c: {  	_ =	swait.ge @!p1 [sflag:s8], $0x3800  }
0x5d: {  	[sflag:s8] =	ssyncset.done @!p1 $0x0  }
0x5e: {  	s21 =	sadd.s32 $0x46, s21;
	s12 =	simm.s32 $0x280;
	[sflag:s8] =	ssyncadd.s32 @!p1 $0xFFFFC800  }
0x5f: {  	[tilespmem:s12], [sflag:$0x6] =	stream.linear.gather [hbm4b:s21+s2], $0x70, $0x38;
	[tilespmem:$0x1E680] =	vst v63  }
0x60: {  	s23 =	sadd.s32 $0x46, s22;
	s14 =	simm.s32 $0x580  }
0x61: {  	[tilespmem:s14], [sflag:$0x6] =	stream.linear.gather [hbm4b:s23+s2], $0x70, $0x38;
	[tilespmem:$0x1E680] =	vst v63  }
0x62: {  	_ =	swait.ge [sflag:s9], $0x70  }
0x63: {  	[sflag:s9] =	ssyncset.done $0x0  }
0x64: {  	[sflag:s9] =	ssyncadd.s32 $0xFFFFFF90  }
0x65: {  	_ =	swait.ge [sflag:s9], $0x70  }
0x66: {  	[sflag:s9] =	ssyncset.done $0x0  }
0x67: {  	s14 =	simm.s32 $0x7600;
	[sflag:s9] =	ssyncadd.s32 $0xFFFFFF90  }
0x68: {  	[tilespmem:s14], [sflag:$0x9] =	stream.indirect.gather [hbm4b:s4+s29], $0x80, s31, s29, $0xb8;
	[tilespmem:$0x1E680] =	vst v63  }
0x69: {  	_ =	swait.ge [sflag:s11], $0x3800  }
0x6a: {  	[sflag:s11] =	ssyncset.done $0x0  }
0x6b: {  	s24 =	simm.s32 $0xA;
	[sflag:s11] =	ssyncadd.s32 $0xFFFFC800  }
0x6c: {  	[spmem:s1] =	stream.indirect.scatter.add.f32 [tilespmem:s5], [sflag:$0xB], $0x80, s15, s29, $0xb8;
	[tilespmem:$0x1E680] =	vst v63  }
0x6d: {  	p1 =	por $0x0, $0x0;
	_ =	swait.ge [sflag:s24], $0x3800  }
0x6e: {  	s8 =	sadd.s32 @!p1 $0x0, s18;
	s21 =	sadd.s32 @!p1 $0x0, s19;
	[sflag:s24] =	ssyncset.done $0x0  }
0x6f: {  	s22 =	sadd.s32 @!p1 $0x54, s8;
	s23 =	simm.s32 @!p1 $0x0;
	[sflag:s24] =	ssyncadd.s32 $0xFFFFC800  }
0x70: {  	[tilespmem:s23], [sflag:$0x1] =	stream.linear.gather @!p1 [hbm4b:s22+s23], $0x70, $0x38;
	[tilespmem:$0x1E680] =	vst v63  }
0x71: {  	s24 =	simm.s32 @!p1 $0x300;
	s22 =	sadd.s32 @!p1 $0x54, s21  }
0x72: {  	[tilespmem:s24], [sflag:$0x1] =	stream.linear.gather @!p1 [hbm4b:s22+s23], $0x70, $0x38;
	[tilespmem:$0x1E680] =	vst v63  }
0x73: {  	_ =	swait.ge [sflag:s13], $0x70  }
0x74: {  	[sflag:s13] =	ssyncset.done $0x0  }
0x75: {  	[sflag:s13] =	ssyncadd.s32 $0xFFFFFF90  }
0x76: {  	_ =	swait.ge [sflag:s13], $0x70  }
0x77: {  	[sflag:s13] =	ssyncset.done $0x0  }
0x78: {  	s25 =	simm.s32 $0x9;
	[sflag:s13] =	ssyncadd.s32 $0xFFFFFF90  }
0x79: {  	[tilespmem:s30], [sflag:$0x7] =	stream.indirect.gather [hbm4b:s4+s29], $0x80, s0, s29, $0xb8;
	[tilespmem:$0x1E680] =	vst v63  }
0x7a: {  	_ =	swait.ge [sflag:s25], $0x3800  }
0x7b: {  	[sflag:s25] =	ssyncset.done $0x0  }
0x7c: {  	s26 =	simm.s32 $0x400;
	s31 =	simm.s32 $0xB;
	[sflag:s25] =	ssyncadd.s32 $0xFFFFC800  }
0x7d: {  	[spmem:s1] =	stream.indirect.scatter.add.f32 [tilespmem:s14], [sflag:$0xC], $0x80, s26, s29, $0xb8;
	[tilespmem:$0x1E680] =	vst v63  }
0x7e: {  	_ =	swait.ge [sflag:s31], $0x3800  }
0x7f: {  	[sflag:s31] =	ssyncset.done $0x0  }
0x80: {  	s22 =	sadd.s32 @!p1 $0x62, s8;
	s24 =	simm.s32 @!p1 $0x80;
	[sflag:s31] =	ssyncadd.s32 $0xFFFFC800  }
0x81: {  	[tilespmem:s24], [sflag:$0x2] =	stream.linear.gather @!p1 [hbm4b:s22+s23], $0x70, $0x38;
	[tilespmem:$0x1E680] =	vst v63  }
0x82: {  	s22 =	sadd.s32 @!p1 $0x62, s21;
	s24 =	simm.s32 @!p1 $0x380  }
0x83: {  	[tilespmem:s24], [sflag:$0x2] =	stream.linear.gather @!p1 [hbm4b:s22+s23], $0x70, $0x38;
	[tilespmem:$0x1E680] =	vst v63  }
0x84: {  	_ =	swait.ge [sflag:s16], $0x70  }
0x85: {  	[sflag:s16] =	ssyncset.done $0x0  }
0x86: {  	[sflag:s16] =	ssyncadd.s32 $0xFFFFFF90  }
0x87: {  	_ =	swait.ge [sflag:s16], $0x70  }
0x88: {  	[sflag:s16] =	ssyncset.done $0x0  }
0x89: {  	[sflag:s16] =	ssyncadd.s32 $0xFFFFFF90  }
0x8a: {  	[tilespmem:s5], [sflag:$0x8] =	stream.indirect.gather [hbm4b:s4+s29], $0x80, s10, s29, $0xb8;
	[tilespmem:$0x1E680] =	vst v63  }
0x8b: {  	_ =	swait.ge [sflag:s6], $0x3800  }
0x8c: {  	[sflag:s6] =	ssyncset.done $0x0  }
0x8d: {  	[sflag:s6] =	ssyncadd.s32 $0xFFFFC800  }
0x8e: {  	[spmem:s1] =	stream.indirect.scatter.add.f32 [tilespmem:s30], [sflag:$0xA], $0x80, s7, s29, $0xb8;
	[tilespmem:$0x1E680] =	vst v63  }
0x8f: {  	_ =	swait.ge [sflag:s17], $0x3800  }
0x90: {  	[sflag:s17] =	ssyncset.done $0x0  }
0x91: {  	s8 =	sadd.s32 @!p1 $0x70, s8;
	s22 =	simm.s32 @!p1 $0x100;
	[sflag:s17] =	ssyncadd.s32 $0xFFFFC800  }
0x92: {  	[tilespmem:s22], [sflag:$0x3] =	stream.linear.gather @!p1 [hbm4b:s8+s23], $0x70, $0x38;
	[tilespmem:$0x1E680] =	vst v63  }
0x93: {  	s8 =	sadd.s32 @!p1 $0x70, s21;
	s21 =	simm.s32 @!p1 $0x400  }
0x94: {  	[tilespmem:s21], [sflag:$0x3] =	stream.linear.gather @!p1 [hbm4b:s8+s23], $0x70, $0x38;
	[tilespmem:$0x1E680] =	vst v63  }
0x95: {  	_ =	swait.ge [sflag:s20], $0x70  }
0x96: {  	[sflag:s20] =	ssyncset.done $0x0  }
0x97: {  	[sflag:s20] =	ssyncadd.s32 $0xFFFFFF90  }
0x98: {  	_ =	swait.ge [sflag:s20], $0x70  }
0x99: {  	[sflag:s20] =	ssyncset.done $0x0  }
0x9a: {  	[sflag:s20] =	ssyncadd.s32 $0xFFFFFF90  }
0x9b: {  	[tilespmem:s14], [sflag:$0x9] =	stream.indirect.gather [hbm4b:s4+s29], $0x80, s12, s29, $0xb8;
	[tilespmem:$0x1E680] =	vst v63  }
0x9c: {  	p2 =	por $0x0, $0x0;
	_ =	swait.ge [sflag:s11], $0x3800  }
0x9d: {  	s22 =	simm.s32 $0xA8;
	s21 =	simm.s32 $0x54;
	[sflag:s11] =	ssyncset.done $0x0  }
.LBB2_2:
0x9e: {  	s8 =	simm.s32 @!p2 $0xA;
	[sflag:s11] =	ssyncadd.s32 $0xFFFFC800  }
0x9f: {  	s23 =	smov.u32 s22;
	s22 =	sadd.s32 $0x54, s22;
	s14 =	simm.s32 $0x500  }
0xa0: {  	[spmem:s1] =	stream.indirect.scatter.add.f32 [tilespmem:s5], [sflag:$0xB], $0x80, s14, s29, $0xb8;
	[tilespmem:$0x1E680] =	vst v63  }
0xa1: {  	p1 =	sne.s32 s22, $0x4EC;
	_ =	swait.ge @!p2 [sflag:s8], $0x3800  }
0xa2: {  	s24 =	sadd.s32 s21, s18;
	s7 =	simm.s32 $0x180;
	[sflag:s8] =	ssyncset.done @!p2 $0x0  }
0xa3: {  	s25 =	sadd.s32 $0x2A, s24;
	[sflag:s8] =	ssyncadd.s32 @!p2 $0xFFFFC800;
	s8 =	sadd.s32 s21, s19  }
0xa4: {  	[tilespmem:s7], [sflag:$0x4] =	stream.linear.gather [hbm4b:s25+s2], $0x70, $0x38;
	[tilespmem:$0x1E680] =	vst v63  }
0xa5: {  	s10 =	simm.s32 $0x480;
	s25 =	sadd.s32 $0x2A, s8  }
0xa6: {  	[tilespmem:s10], [sflag:$0x4] =	stream.linear.gather [hbm4b:s25+s2], $0x70, $0x38;
	[tilespmem:$0x1E680] =	vst v63  }
0xa7: {  	_ =	swait.ge [sflag:s28], $0x70  }
0xa8: {  	[sflag:s28] =	ssyncset.done $0x0  }
0xa9: {  	[sflag:s28] =	ssyncadd.s32 $0xFFFFFF90  }
0xaa: {  	_ =	swait.ge [sflag:s28], $0x70  }
0xab: {  	[sflag:s28] =	ssyncset.done $0x0  }
0xac: {  	s25 =	simm.s32 @!p2 $0x9;
	[sflag:s28] =	ssyncadd.s32 $0xFFFFFF90  }
0xad: {  	[tilespmem:s30], [sflag:$0x7] =	stream.indirect.gather [hbm4b:s4+s29], $0x80, s2, s29, $0xb8;
	[tilespmem:$0x1E680] =	vst v63  }
0xae: {  	_ =	swait.ge @!p2 [sflag:s25], $0x3800  }
0xaf: {  	s26 =	simm.s32 @!p2 $0x7600;
	s31 =	simm.s32 @!p2 $0xB;
	[sflag:s25] =	ssyncset.done @!p2 $0x0  }
0xb0: {  	s0 =	simm.s32 @!p2 $0x580;
	[sflag:s25] =	ssyncadd.s32 @!p2 $0xFFFFC800;
	s25 =	simm.s32 @!p2 $0x70  }
0xb1: {  	[spmem:s1] =	stream.indirect.scatter.add.f32 @!p2 [tilespmem:s26], [sflag:$0xC], $0x80, s0, s25, $0xb8;
	[tilespmem:$0x1E680] =	vst v63  }
0xb2: {  	_ =	swait.ge @!p2 [sflag:s31], $0x3800  }
0xb3: {  	[sflag:s31] =	ssyncset.done @!p2 $0x0  }
0xb4: {  	s12 =	simm.s32 $0x200;
	s0 =	sadd.s32 $0x38, s24;
	[sflag:s31] =	ssyncadd.s32 @!p2 $0xFFFFC800  }
0xb5: {  	[tilespmem:s12], [sflag:$0x5] =	stream.linear.gather [hbm4b:s0+s2], $0x70, $0x38;
	[tilespmem:$0x1E680] =	vst v63  }
0xb6: {  	s0 =	sadd.s32 $0x38, s8  }
0xb7: {  	[tilespmem:s14], [sflag:$0x5] =	stream.linear.gather [hbm4b:s0+s2], $0x70, $0x38;
	[tilespmem:$0x1E680] =	vst v63  }
0xb8: {  	_ =	swait.ge [sflag:s3], $0x70  }
0xb9: {  	[sflag:s3] =	ssyncset.done $0x0  }
0xba: {  	[sflag:s3] =	ssyncadd.s32 $0xFFFFFF90  }
0xbb: {  	_ =	swait.ge [sflag:s3], $0x70  }
0xbc: {  	[sflag:s3] =	ssyncset.done $0x0  }
0xbd: {  	s0 =	simm.s32 $0x80;
	[sflag:s3] =	ssyncadd.s32 $0xFFFFFF90  }
0xbe: {  	[tilespmem:s5], [sflag:$0x8] =	stream.indirect.gather [hbm4b:s4+s29], $0x80, s0, s29, $0xb8;
	[tilespmem:$0x1E680] =	vst v63  }
0xbf: {  	_ =	swait.ge [sflag:s6], $0x3800  }
0xc0: {  	[sflag:s6] =	ssyncset.done $0x0  }
0xc1: {  	s25 =	simm.s32 $0x300;
	s0 =	simm.s32 @!p2 $0xC;
	[sflag:s6] =	ssyncadd.s32 $0xFFFFC800  }
0xc2: {  	[spmem:s1] =	stream.indirect.scatter.add.f32 [tilespmem:s30], [sflag:$0xA], $0x80, s25, s29, $0xb8;
	[tilespmem:$0x1E680] =	vst v63  }
0xc3: {  	_ =	swait.ge @!p2 [sflag:s0], $0x3800  }
0xc4: {  	[sflag:s0] =	ssyncset.done @!p2 $0x0  }
0xc5: {  	s14 =	simm.s32 $0x280;
	[sflag:s0] =	ssyncadd.s32 @!p2 $0xFFFFC800;
	s0 =	sadd.s32 $0x46, s24  }
0xc6: {  	[tilespmem:s14], [sflag:$0x6] =	stream.linear.gather [hbm4b:s0+s2], $0x70, $0x38;
	[tilespmem:$0x1E680] =	vst v63  }
0xc7: {  	s0 =	sadd.s32 $0x46, s8;
	s8 =	simm.s32 $0x580  }
0xc8: {  	[tilespmem:s8], [sflag:$0x6] =	stream.linear.gather [hbm4b:s0+s2], $0x70, $0x38;
	[tilespmem:$0x1E680] =	vst v63  }
0xc9: {  	_ =	swait.ge [sflag:s9], $0x70  }
0xca: {  	[sflag:s9] =	ssyncset.done $0x0  }
0xcb: {  	[sflag:s9] =	ssyncadd.s32 $0xFFFFFF90  }
0xcc: {  	_ =	swait.ge [sflag:s9], $0x70  }
0xcd: {  	[sflag:s9] =	ssyncset.done $0x0  }
0xce: {  	s15 =	simm.s32 $0x7600;
	s0 =	simm.s32 $0x100;
	[sflag:s9] =	ssyncadd.s32 $0xFFFFFF90  }
0xcf: {  	[tilespmem:s15], [sflag:$0x9] =	stream.indirect.gather [hbm4b:s4+s29], $0x80, s0, s29, $0xb8;
	[tilespmem:$0x1E680] =	vst v63  }
0xd0: {  	_ =	swait.ge [sflag:s11], $0x3800  }
0xd1: {  	[sflag:s11] =	ssyncset.done $0x0  }
0xd2: {  	s24 =	simm.s32 $0xA;
	s0 =	simm.s32 $0x380;
	[sflag:s11] =	ssyncadd.s32 $0xFFFFC800  }
0xd3: {  	[spmem:s1] =	stream.indirect.scatter.add.f32 [tilespmem:s5], [sflag:$0xB], $0x80, s0, s29, $0xb8;
	[tilespmem:$0x1E680] =	vst v63  }
0xd4: {  	p2 =	seq.s32 s21, $0x498;
	_ =	swait.ge [sflag:s24], $0x3800  }
0xd5: {  	s8 =	sadd.s32 @!p2 s21, s19;
	s0 =	sadd.s32 @!p2 s21, s18;
	[sflag:s24] =	ssyncset.done $0x0  }
0xd6: {  	s21 =	sadd.s32 @!p2 $0x54, s0;
	[sflag:s24] =	ssyncadd.s32 $0xFFFFC800;
	s24 =	simm.s32 @!p2 $0x0  }
0xd7: {  	[tilespmem:s24], [sflag:$0x1] =	stream.linear.gather @!p2 [hbm4b:s21+s24], $0x70, $0x38;
	[tilespmem:$0x1E680] =	vst v63  }
0xd8: {  	s25 =	simm.s32 @!p2 $0x300;
	s26 =	sadd.s32 @!p2 $0x62, s0;
	s21 =	sadd.s32 @!p2 $0x54, s8  }
0xd9: {  	[tilespmem:s25], [sflag:$0x1] =	stream.linear.gather @!p2 [hbm4b:s21+s24], $0x70, $0x38;
	[tilespmem:$0x1E680] =	vst v63  }
0xda: {  	s31 =	sadd.s32 @!p2 $0x62, s8;
	s25 =	sadd.s32 @!p2 $0x70, s0;
	_ =	swait.ge [sflag:s13], $0x70  }
0xdb: {  	s8 =	sadd.s32 @!p2 $0x70, s8;
	s21 =	smov.u32 s23;
	[sflag:s13] =	ssyncset.done $0x0  }
0xdc: {  	[sflag:s13] =	ssyncadd.s32 $0xFFFFFF90  }
0xdd: {  	_ =	swait.ge [sflag:s13], $0x70  }
0xde: {  	[sflag:s13] =	ssyncset.done $0x0  }
0xdf: {  	s0 =	simm.s32 $0x9;
	[sflag:s13] =	ssyncadd.s32 $0xFFFFFF90  }
0xe0: {  	[tilespmem:s30], [sflag:$0x7] =	stream.indirect.gather [hbm4b:s4+s29], $0x80, s7, s29, $0xb8;
	[tilespmem:$0x1E680] =	vst v63  }
0xe1: {  	_ =	swait.ge [sflag:s0], $0x3800  }
0xe2: {  	[sflag:s0] =	ssyncset.done $0x0  }
0xe3: {  	[sflag:s0] =	ssyncadd.s32 $0xFFFFC800;
	s0 =	simm.s32 $0x400  }
0xe4: {  	[spmem:s1] =	stream.indirect.scatter.add.f32 [tilespmem:s15], [sflag:$0xC], $0x80, s0, s29, $0xb8;
	[tilespmem:$0x1E680] =	vst v63  }
0xe5: {  	s0 =	simm.s32 $0xB  }
0xe6: {  	_ =	swait.ge [sflag:s0], $0x3800  }
0xe7: {  	[sflag:s0] =	ssyncset.done $0x0  }
0xe8: {  	[sflag:s0] =	ssyncadd.s32 $0xFFFFC800;
	s0 =	simm.s32 @!p2 $0x80  }
0xe9: {  	[tilespmem:s0], [sflag:$0x2] =	stream.linear.gather @!p2 [hbm4b:s26+s24], $0x70, $0x38;
	[tilespmem:$0x1E680] =	vst v63  }
0xea: {  	s0 =	simm.s32 @!p2 $0x380  }
0xeb: {  	[tilespmem:s0], [sflag:$0x2] =	stream.linear.gather @!p2 [hbm4b:s31+s24], $0x70, $0x38;
	[tilespmem:$0x1E680] =	vst v63  }
0xec: {  	_ =	swait.ge [sflag:s16], $0x70  }
0xed: {  	[sflag:s16] =	ssyncset.done $0x0  }
0xee: {  	[sflag:s16] =	ssyncadd.s32 $0xFFFFFF90  }
0xef: {  	_ =	swait.ge [sflag:s16], $0x70  }
0xf0: {  	[sflag:s16] =	ssyncset.done $0x0  }
0xf1: {  	[sflag:s16] =	ssyncadd.s32 $0xFFFFFF90  }
0xf2: {  	[tilespmem:s5], [sflag:$0x8] =	stream.indirect.gather [hbm4b:s4+s29], $0x80, s12, s29, $0xb8;
	[tilespmem:$0x1E680] =	vst v63  }
0xf3: {  	_ =	swait.ge [sflag:s6], $0x3800  }
0xf4: {  	[sflag:s6] =	ssyncset.done $0x0  }
0xf5: {  	[sflag:s6] =	ssyncadd.s32 $0xFFFFC800  }
0xf6: {  	[spmem:s1] =	stream.indirect.scatter.add.f32 [tilespmem:s30], [sflag:$0xA], $0x80, s10, s29, $0xb8;
	[tilespmem:$0x1E680] =	vst v63  }
0xf7: {  	_ =	swait.ge [sflag:s17], $0x3800  }
0xf8: {  	[sflag:s17] =	ssyncset.done $0x0  }
0xf9: {  	s0 =	simm.s32 @!p2 $0x100;
	[sflag:s17] =	ssyncadd.s32 $0xFFFFC800  }
0xfa: {  	[tilespmem:s0], [sflag:$0x3] =	stream.linear.gather @!p2 [hbm4b:s25+s24], $0x70, $0x38;
	[tilespmem:$0x1E680] =	vst v63  }
0xfb: {  	s0 =	simm.s32 @!p2 $0x400  }
0xfc: {  	[tilespmem:s0], [sflag:$0x3] =	stream.linear.gather @!p2 [hbm4b:s8+s24], $0x70, $0x38;
	[tilespmem:$0x1E680] =	vst v63  }
0xfd: {  	_ =	swait.ge [sflag:s20], $0x70  }
0xfe: {  	[sflag:s20] =	ssyncset.done $0x0  }
0xff: {  	[sflag:s20] =	ssyncadd.s32 $0xFFFFFF90  }
0x100: {  	_ =	swait.ge [sflag:s20], $0x70  }
.Ltmp0:
0x101: {  	[sflag:s20] =	ssyncset.done $0x0;
	(pc) =	sbr.rel @p1 .LBB2_2-.Ltmp0, $4  }
0x102: {  	[sflag:s20] =	ssyncadd.s32 $0xFFFFFF90  }
0x103: {  	[tilespmem:s15], [sflag:$0x9] =	stream.indirect.gather [hbm4b:s4+s29], $0x80, s14, s29, $0xb8;
	[tilespmem:$0x1E680] =	vst v63  }
0x104: {  	_ =	swait.ge [sflag:s11], $0x3800  }
0x105: {  	p2 =	seq.s32 s21, $0x0;
	[sflag:s11] =	ssyncset.done $0x0  }
0x106: {  	s0 =	simm.s32 @!p2 $0xA;
	[sflag:s11] =	ssyncadd.s32 $0xFFFFC800;
	s25 =	simm.s32 $0x500  }
0x107: {  	[spmem:s1] =	stream.indirect.scatter.add.f32 [tilespmem:s5], [sflag:$0xB], $0x80, s25, s29, $0xb8;
	[tilespmem:$0x1E680] =	vst v63  }
0x108: {  	_ =	swait.ge @!p2 [sflag:s0], $0x3800  }
0x109: {  	s8 =	sadd.s32 s21, s18;
	s22 =	sadd.s32 s21, s19;
	[sflag:s0] =	ssyncset.done @!p2 $0x0  }
0x10a: {  	s7 =	simm.s32 $0x180;
	s10 =	sadd.s32 $0x2A, s8;
	[sflag:s0] =	ssyncadd.s32 @!p2 $0xFFFFC800  }
0x10b: {  	[tilespmem:s7], [sflag:$0x4] =	stream.linear.gather [hbm4b:s10+s2], $0x70, $0x38;
	[tilespmem:$0x1E680] =	vst v63  }
0x10c: {  	s12 =	sadd.s32 $0x2A, s22;
	s10 =	simm.s32 $0x480  }
0x10d: {  	[tilespmem:s10], [sflag:$0x4] =	stream.linear.gather [hbm4b:s12+s2], $0x70, $0x38;
	[tilespmem:$0x1E680] =	vst v63  }
0x10e: {  	_ =	swait.ge [sflag:s28], $0x70  }
0x10f: {  	[sflag:s28] =	ssyncset.done $0x0  }
0x110: {  	[sflag:s28] =	ssyncadd.s32 $0xFFFFFF90  }
0x111: {  	_ =	swait.ge [sflag:s28], $0x70  }
0x112: {  	[sflag:s28] =	ssyncset.done $0x0  }
0x113: {  	s0 =	simm.s32 @!p2 $0x9;
	[sflag:s28] =	ssyncadd.s32 $0xFFFFFF90  }
0x114: {  	[tilespmem:s30], [sflag:$0x7] =	stream.indirect.gather [hbm4b:s4+s29], $0x80, s2, s29, $0xb8;
	[tilespmem:$0x1E680] =	vst v63  }
0x115: {  	_ =	swait.ge @!p2 [sflag:s0], $0x3800  }
0x116: {  	s23 =	simm.s32 @!p2 $0x7600;
	[sflag:s0] =	ssyncset.done @!p2 $0x0  }
0x117: {  	s24 =	simm.s32 @!p2 $0x580;
	[sflag:s0] =	ssyncadd.s32 @!p2 $0xFFFFC800;
	s0 =	simm.s32 @!p2 $0x70  }
0x118: {  	[spmem:s1] =	stream.indirect.scatter.add.f32 @!p2 [tilespmem:s23], [sflag:$0xC], $0x80, s24, s0, $0xb8;
	[tilespmem:$0x1E680] =	vst v63  }
0x119: {  	s0 =	simm.s32 @!p2 $0xB  }
0x11a: {  	_ =	swait.ge @!p2 [sflag:s0], $0x3800  }
0x11b: {  	[sflag:s0] =	ssyncset.done @!p2 $0x0  }
0x11c: {  	s14 =	sadd.s32 $0x38, s8;
	s12 =	simm.s32 $0x200;
	[sflag:s0] =	ssyncadd.s32 @!p2 $0xFFFFC800  }
0x11d: {  	[tilespmem:s12], [sflag:$0x5] =	stream.linear.gather [hbm4b:s14+s2], $0x70, $0x38;
	[tilespmem:$0x1E680] =	vst v63  }
0x11e: {  	s15 =	sadd.s32 $0x38, s22  }
0x11f: {  	[tilespmem:s25], [sflag:$0x5] =	stream.linear.gather [hbm4b:s15+s2], $0x70, $0x38;
	[tilespmem:$0x1E680] =	vst v63  }
0x120: {  	_ =	swait.ge [sflag:s3], $0x70  }
0x121: {  	[sflag:s3] =	ssyncset.done $0x0  }
0x122: {  	[sflag:s3] =	ssyncadd.s32 $0xFFFFFF90  }
0x123: {  	_ =	swait.ge [sflag:s3], $0x70  }
0x124: {  	[sflag:s3] =	ssyncset.done $0x0  }
0x125: {  	s23 =	simm.s32 $0x80;
	[sflag:s3] =	ssyncadd.s32 $0xFFFFFF90  }
0x126: {  	[tilespmem:s5], [sflag:$0x8] =	stream.indirect.gather [hbm4b:s4+s29], $0x80, s23, s29, $0xb8;
	[tilespmem:$0x1E680] =	vst v63  }
0x127: {  	_ =	swait.ge [sflag:s6], $0x3800  }
0x128: {  	[sflag:s6] =	ssyncset.done $0x0  }
0x129: {  	s24 =	simm.s32 $0x300;
	s0 =	simm.s32 @!p2 $0xC;
	[sflag:s6] =	ssyncadd.s32 $0xFFFFC800  }
0x12a: {  	[spmem:s1] =	stream.indirect.scatter.add.f32 [tilespmem:s30], [sflag:$0xA], $0x80, s24, s29, $0xb8;
	[tilespmem:$0x1E680] =	vst v63  }
0x12b: {  	_ =	swait.ge @!p2 [sflag:s0], $0x3800  }
0x12c: {  	[sflag:s0] =	ssyncset.done @!p2 $0x0  }
0x12d: {  	s26 =	sadd.s32 $0x46, s8;
	s14 =	simm.s32 $0x280;
	[sflag:s0] =	ssyncadd.s32 @!p2 $0xFFFFC800  }
0x12e: {  	[tilespmem:s14], [sflag:$0x6] =	stream.linear.gather [hbm4b:s26+s2], $0x70, $0x38;
	[tilespmem:$0x1E680] =	vst v63  }
0x12f: {  	s31 =	sadd.s32 $0x46, s22;
	s24 =	simm.s32 $0x580  }
0x130: {  	[tilespmem:s24], [sflag:$0x6] =	stream.linear.gather [hbm4b:s31+s2], $0x70, $0x38;
	[tilespmem:$0x1E680] =	vst v63  }
0x131: {  	_ =	swait.ge [sflag:s9], $0x70  }
0x132: {  	[sflag:s9] =	ssyncset.done $0x0  }
0x133: {  	[sflag:s9] =	ssyncadd.s32 $0xFFFFFF90  }
0x134: {  	_ =	swait.ge [sflag:s9], $0x70  }
0x135: {  	[sflag:s9] =	ssyncset.done $0x0  }
0x136: {  	s8 =	simm.s32 $0x100;
	s15 =	simm.s32 $0x7600;
	[sflag:s9] =	ssyncadd.s32 $0xFFFFFF90  }
0x137: {  	[tilespmem:s15], [sflag:$0x9] =	stream.indirect.gather [hbm4b:s4+s29], $0x80, s8, s29, $0xb8;
	[tilespmem:$0x1E680] =	vst v63  }
0x138: {  	_ =	swait.ge [sflag:s11], $0x3800  }
0x139: {  	[sflag:s11] =	ssyncset.done $0x0  }
0x13a: {  	s22 =	simm.s32 $0x380;
	s26 =	simm.s32 $0xA;
	[sflag:s11] =	ssyncadd.s32 $0xFFFFC800  }
0x13b: {  	[spmem:s1] =	stream.indirect.scatter.add.f32 [tilespmem:s5], [sflag:$0xB], $0x80, s22, s29, $0xb8;
	[tilespmem:$0x1E680] =	vst v63  }
0x13c: {  	p1 =	seq.s32 s21, $0x498;
	_ =	swait.ge [sflag:s26], $0x3800  }
0x13d: {  	s0 =	sadd.s32 @!p1 s21, s18;
	s8 =	sadd.s32 @!p1 s21, s19;
	[sflag:s26] =	ssyncset.done $0x0  }
0x13e: {  	s21 =	sadd.s32 @!p1 $0x54, s0;
	s22 =	simm.s32 @!p1 $0x0;
	[sflag:s26] =	ssyncadd.s32 $0xFFFFC800  }
0x13f: {  	[tilespmem:s22], [sflag:$0x1] =	stream.linear.gather @!p1 [hbm4b:s21+s22], $0x70, $0x38;
	[tilespmem:$0x1E680] =	vst v63  }
0x140: {  	s23 =	simm.s32 @!p1 $0x300;
	s21 =	sadd.s32 @!p1 $0x54, s8  }
0x141: {  	[tilespmem:s23], [sflag:$0x1] =	stream.linear.gather @!p1 [hbm4b:s21+s22], $0x70, $0x38;
	[tilespmem:$0x1E680] =	vst v63  }
0x142: {  	_ =	swait.ge [sflag:s13], $0x70  }
0x143: {  	[sflag:s13] =	ssyncset.done $0x0  }
0x144: {  	[sflag:s13] =	ssyncadd.s32 $0xFFFFFF90  }
0x145: {  	_ =	swait.ge [sflag:s13], $0x70  }
0x146: {  	[sflag:s13] =	ssyncset.done $0x0  }
0x147: {  	[sflag:s13] =	ssyncadd.s32 $0xFFFFFF90  }
0x148: {  	[tilespmem:s30], [sflag:$0x7] =	stream.indirect.gather [hbm4b:s4+s29], $0x80, s7, s29, $0xb8;
	[tilespmem:$0x1E680] =	vst v63  }
0x149: {  	s7 =	simm.s32 $0x9  }
0x14a: {  	_ =	swait.ge [sflag:s7], $0x3800  }
0x14b: {  	[sflag:s7] =	ssyncset.done $0x0  }
0x14c: {  	s31 =	simm.s32 $0xB;
	s23 =	simm.s32 $0x400;
	[sflag:s7] =	ssyncadd.s32 $0xFFFFC800  }
0x14d: {  	[spmem:s1] =	stream.indirect.scatter.add.f32 [tilespmem:s15], [sflag:$0xC], $0x80, s23, s29, $0xb8;
	[tilespmem:$0x1E680] =	vst v63  }
0x14e: {  	_ =	swait.ge [sflag:s31], $0x3800  }
0x14f: {  	[sflag:s31] =	ssyncset.done $0x0  }
0x150: {  	s21 =	sadd.s32 @!p1 $0x62, s0;
	s23 =	simm.s32 @!p1 $0x80;
	[sflag:s31] =	ssyncadd.s32 $0xFFFFC800  }
0x151: {  	[tilespmem:s23], [sflag:$0x2] =	stream.linear.gather @!p1 [hbm4b:s21+s22], $0x70, $0x38;
	[tilespmem:$0x1E680] =	vst v63  }
0x152: {  	s21 =	sadd.s32 @!p1 $0x62, s8;
	s23 =	simm.s32 @!p1 $0x380  }
0x153: {  	[tilespmem:s23], [sflag:$0x2] =	stream.linear.gather @!p1 [hbm4b:s21+s22], $0x70, $0x38;
	[tilespmem:$0x1E680] =	vst v63  }
0x154: {  	_ =	swait.ge [sflag:s16], $0x70  }
0x155: {  	[sflag:s16] =	ssyncset.done $0x0  }
0x156: {  	[sflag:s16] =	ssyncadd.s32 $0xFFFFFF90  }
0x157: {  	_ =	swait.ge [sflag:s16], $0x70  }
0x158: {  	[sflag:s16] =	ssyncset.done $0x0  }
0x159: {  	[sflag:s16] =	ssyncadd.s32 $0xFFFFFF90  }
0x15a: {  	[tilespmem:s5], [sflag:$0x8] =	stream.indirect.gather [hbm4b:s4+s29], $0x80, s12, s29, $0xb8;
	[tilespmem:$0x1E680] =	vst v63  }
0x15b: {  	_ =	swait.ge [sflag:s6], $0x3800  }
0x15c: {  	[sflag:s6] =	ssyncset.done $0x0  }
0x15d: {  	[sflag:s6] =	ssyncadd.s32 $0xFFFFC800  }
0x15e: {  	[spmem:s1] =	stream.indirect.scatter.add.f32 [tilespmem:s30], [sflag:$0xA], $0x80, s10, s29, $0xb8;
	[tilespmem:$0x1E680] =	vst v63  }
0x15f: {  	_ =	swait.ge [sflag:s17], $0x3800  }
0x160: {  	[sflag:s17] =	ssyncset.done $0x0  }
0x161: {  	s0 =	sadd.s32 @!p1 $0x70, s0;
	s21 =	simm.s32 @!p1 $0x100;
	[sflag:s17] =	ssyncadd.s32 $0xFFFFC800  }
0x162: {  	[tilespmem:s21], [sflag:$0x3] =	stream.linear.gather @!p1 [hbm4b:s0+s22], $0x70, $0x38;
	[tilespmem:$0x1E680] =	vst v63  }
0x163: {  	s0 =	sadd.s32 @!p1 $0x70, s8;
	s8 =	simm.s32 @!p1 $0x400  }
0x164: {  	[tilespmem:s8], [sflag:$0x3] =	stream.linear.gather @!p1 [hbm4b:s0+s22], $0x70, $0x38;
	[tilespmem:$0x1E680] =	vst v63  }
0x165: {  	_ =	swait.ge [sflag:s20], $0x70  }
0x166: {  	[sflag:s20] =	ssyncset.done $0x0  }
0x167: {  	[sflag:s20] =	ssyncadd.s32 $0xFFFFFF90  }
0x168: {  	_ =	swait.ge [sflag:s20], $0x70  }
0x169: {  	[sflag:s20] =	ssyncset.done $0x0  }
0x16a: {  	[sflag:s20] =	ssyncadd.s32 $0xFFFFFF90  }
0x16b: {  	[tilespmem:s15], [sflag:$0x9] =	stream.indirect.gather [hbm4b:s4+s29], $0x80, s14, s29, $0xb8;
	[tilespmem:$0x1E680] =	vst v63  }
0x16c: {  	_ =	swait.ge [sflag:s11], $0x3800  }
0x16d: {  	[sflag:s11] =	ssyncset.done $0x0  }
0x16e: {  	[sflag:s11] =	ssyncadd.s32 $0xFFFFC800  }
0x16f: {  	[spmem:s1] =	stream.indirect.scatter.add.f32 [tilespmem:s5], [sflag:$0xB], $0x80, s25, s29, $0xb8;
	[tilespmem:$0x1E680] =	vst v63  }
0x170: {  	_ =	swait.ge [sflag:s7], $0x3800  }
0x171: {  	[sflag:s7] =	ssyncset.done $0x0  }
0x172: {  	[sflag:s7] =	ssyncadd.s32 $0xFFFFC800  }
0x173: {  	[spmem:s1] =	stream.indirect.scatter.add.f32 [tilespmem:s15], [sflag:$0xC], $0x80, s24, s29, $0xb8;
	[tilespmem:$0x1E680] =	vst v63  }
0x174: {  	_ =	swait.ge [sflag:s26], $0x3800  }
0x175: {  	[sflag:s26] =	ssyncset.done $0x0  }
0x176: {  	[sflag:s26] =	ssyncadd.s32 $0xFFFFC800  }
0x177: {  	_ =	swait.ge [sflag:s31], $0x3800  }
0x178: {  	[sflag:s31] =	ssyncset.done $0x0  }
0x179: {  	[sflag:s31] =	ssyncadd.s32 $0xFFFFC800  }
0x17a: {  	_ =	swait.ge [sflag:s17], $0x3800  }
0x17b: {  	[sflag:s17] =	ssyncset.done $0x0  }
0x17c: {  	[sflag:s17] =	ssyncadd.s32 $0xFFFFC800  }
0x17d: {  	[bflag:$0x0] =	sbarrier.arrive $0xFFFF  }
0x17e: {  	s8 =	rddreg [dreg:$0xf]  }
0x17f: {  	s0 =	simm.s32 @p0 $0x1FCD;
	s7 =	rddreg [dreg:$0x12]  }
0x180: {  	[hbm:s8], [sflag:s0] =	dma.local @p0 [spmem:s7], $0x2080  }
0x181: {  	s0 =	simm.s32 @p0 $0xD  }
0x182: {  	_ =	swait.ge @p0 [sflag:s0], $0x2080  }
0x183: {  	s7 =	rddreg [dreg:$0x13]  }
0x184: {  	[sflag:s0] =	ssyncset.done @p0 $0x0;
	s8 =	rddreg [dreg:$0x14]  }
0x185: {  	[sflag:s0] =	ssyncadd.s32 @p0 $0xFFFFDF80;
	s0 =	rddreg [dreg:$0xe]  }
0x186: {  	[hbm:s0], [sflag:s7] =	dma.local @!p0 [spmem:s8], $0x2780  }
0x187: {  	s0 =	simm.s32 @!p0 $0xD  }
0x188: {  	_ =	swait.ge @!p0 [sflag:s0], $0x2780  }
0x189: {  	s26 =	rddreg [dreg:$0x11]  }
0x18a: {  	s31 =	rddreg [dreg:$0x10];
	s7 =	sadd.s32 $0x1, s26  }
0x18b: {  	p1 =	sne.s32 s7, s31  }
.Ltmp1:
0x18c: {  	_ = 	snop;
	(pc) =	sbr.rel @p1 .LBB2_1-.Ltmp1, $3  }
0x18d: {  	_ =	sdelay $0x1  }
0x18e: {  	[sflag:s0] =	ssyncset.done @!p0 $0x0  }
0x18f: {  	s12 =	simm.s32 $0x500;
	[sflag:s0] =	ssyncadd.s32 @!p0 $0xFFFFD880  }
0x190: {  	_ =	sfence.sel $0x180000  }
0x191: {  	[bflag:$0x0] =	sbarrier.arrive $0xFFFF  }
0x192: {  	_ =	strace $0x90000047  }
0x193: {  	s0 =	stileid.u32;
	[bflag:$0x2] =	sbarrier.arrive $0xFFFF  }
0x194: {  	p0 =	sne.s32 s0, $0x0;
	s0 =	rddreg [dreg:$0x3]  }
0x195: {  	s0 =	sadd.s32 @!p0 $0x100000, s0  }
0x196: {  	[sflag:s0] =	ssyncadd.tile.s32 @!p0 $0x1;
	_ =	shalt  }
.Lfunc_end2:
_tile_overlayer_lowered:
.L_overlay_start_2:
0x197: {  	(tag) =	ssettag $0x2  }
0x198: {  	s0 =	rddreg [dreg:$0x0];
	s2 =	stileid.u32  }
0x199: {  	s1 =	rddreg [dreg:$0x1];
	p0 =	sne.s32 s2, $0x0  }
0x19a: {  	s3 =	rddreg [dreg:$0x2];
	[bflag:$0x3] =	sbarrier.arrive $0xFFFF;
	s2 =	simm.s32 @!p0 $0x1C0D  }
0x19b: {  	[timem:s3], [sflag:s2] =	dma.local @!p0 [hbm:s0], s1  }
0x19c: {  	s0 =	simm.s32 @!p0 $0xD  }
0x19d: {  	_ =	swait.ge @!p0 [sflag:s0], s1  }
0x19e: {  	s1 =	ssub.s32 @!p0 $0x0, s1;
	[sflag:s0] =	ssyncset.done @!p0 $0x0  }
0x19f: {  	[sflag:s0] =	ssyncadd.s32 @!p0 s1  }
0x1a0: {  	[bflag:$0x3] =	sbarrier.arrive $0xFFFF  }
0x1a1: {  	_ =	shalt  }

</sc_bundles>
